<compile_context>
chip_gen: v7x
topology: tpu7x:2x2x1
jax: 0.10.2.dev20260603
libtpu: 0.0.44.dev20260713+nightly
codegen_flags: <defaults>
</compile_context>

<pallas_src>
import jax
import jax.numpy as jnp
from jax import lax
from jax.experimental import pallas as pl
from jax.experimental.pallas import tpu as pltpu
from jax.experimental.pallas import tpu_sc as plsc

_Q = 250000
_P = 12
_NWMAX = 7
_THETA = 20.0
_NW = 32
_NG = 489
_RPT = _NG * 16
_LAST = _Q - _RPT
_INF = float("inf")
_BQ = 2048

_mesh = plsc.VectorSubcoreMesh(core_axis_name="c", subcore_axis_name="s")
_params = pltpu.CompilerParams(needs_layout_passes=False,
                               use_tc_tiling_on_sc=False)


def _wid():
    return lax.axis_index("c") * 16 + lax.axis_index("s")


def _splat(x, dtype=jnp.float32):
    return jnp.full((16,), x, dtype=dtype)


def _k1_body(inp16_hbm, w_hbm, pm_hbm, ps_hbm, pi_hbm,
             vm_inp, vm_perm, vm_w, vm_pm, vm_ps, vm_pi, sem_w):
    wid = _wid()
    start = jnp.minimum(wid * _RPT, _LAST)
    wofs = pl.multiple_of(start * _P, 8)
    wcopy = pltpu.make_async_copy(
        w_hbm.at[pl.ds(wofs, _RPT * _P)], vm_w, sem_w)
    wcopy.start()

    pltpu.sync_copy(inp16_hbm, vm_inp)
    v = vm_inp[...]
    iota = lax.iota(jnp.int32, 16)
    one = jnp.ones((16,), jnp.int32)
    zero = jnp.zeros((16,), jnp.int32)
    r = zero
    for k in range(_P):
        vk = _splat(v[k])
        r = r + jnp.where(vk < v, one, zero)
        r = r + jnp.where((vk == v) & (iota > k), one, zero)
    r = jnp.where(iota < _P, r, iota)
    plsc.store_scatter(vm_perm, [r], iota)
    pv = vm_perm[...]
    st = plsc.load_gather(vm_inp, [pv])

    perm_s = [pv[p] for p in range(_P)]
    st_s = [st[p] for p in range(_P)]
    c1v = [_splat(1.0 - st_s[p]) for p in range(_P)]
    emask = [_splat(st_s[p]) == _INF for p in range(_P)]
    liota12 = iota * _P

    wcopy.wait()

    def compute(g):
        b = g * (16 * _P)
        wr = [plsc.load_gather(vm_w, [liota12 + (b + perm_s[p])])
              for p in range(_P)]
        acc = jnp.where(emask[0], 0.0, wr[0])
        acc0 = acc
        found = acc >= _THETA
        ec = jnp.where(found, _splat(st_s[0]), _INF)
        pot = jnp.where(found, acc, 0.0)
        for p in range(1, _P):
            acc = acc + jnp.where(emask[p], 0.0, wr[p])
            cross = (acc >= _THETA) & (~found)
            ec = jnp.where(cross, _splat(st_s[p]), ec)
            pot = jnp.where(cross, acc, pot)
            found = found | cross
        u = [ec + c1v[p] for p in range(_P)]

        def rsum(wf):
            t0 = jnp.maximum(jnp.minimum(u[0] + wf, wr[0]), 0.0)
            t1 = jnp.maximum(jnp.minimum(u[1] + wf, wr[1]), 0.0)
            t2 = jnp.maximum(jnp.minimum(u[2] + wf, wr[2]), 0.0)
            for p in range(3, _P, 3):
                t0 = t0 + jnp.maximum(jnp.minimum(u[p] + wf, wr[p]), 0.0)
                t1 = t1 + jnp.maximum(jnp.minimum(u[p + 1] + wf, wr[p + 1]), 0.0)
                t2 = t2 + jnp.maximum(jnp.minimum(u[p + 2] + wf, wr[p + 2]), 0.0)
            return t0 + t1 + t2

        lo = jnp.zeros((16,), jnp.int32)
        hi = _splat(_NWMAX, jnp.int32)
        for _ in range(3):
            mid = (lo + hi) >> 1
            ok = rsum(mid.astype(jnp.float32)) >= _THETA
            hi = jnp.where(ok, mid, hi)
            lo = jnp.where(ok, lo, mid + 1)
        ind2 = jnp.where(lo < _NWMAX, lo, 0).astype(jnp.float32)
        potr = rsum(ind2)
        ec_f = jnp.where(found, ec + ind2, _INF)
        pot_f = jnp.where(found, potr, acc0)
        return ec_f, pot_f

    def update(rowbase, g, ec_f, pot_f, carry):
        m, s, i = carry
        row = iota + (rowbase + g * 16)
        lt = ec_f < m
        upd = lt | ((ec_f == m) & (pot_f > s))
        m = jnp.where(lt, ec_f, m)
        s = jnp.where(upd, pot_f, s)
        i = jnp.where(upd, row, i)
        return m, s, i

    def group(g, carry):
        ec_f, pot_f = compute(g)
        return update(start, g, ec_f, pot_f, carry)

    init = (_splat(_INF), _splat(-_INF), jnp.zeros((16,), jnp.int32))
    m, s, i = lax.fori_loop(0, _NG, group, init)

    vm_pm[...] = m
    vm_ps[...] = s
    vm_pi[...] = i
    ofs = pl.multiple_of(wid * 16, 8)
    pltpu.sync_copy(vm_pm, pm_hbm.at[pl.ds(ofs, 16)])
    pltpu.sync_copy(vm_ps, ps_hbm.at[pl.ds(ofs, 16)])
    pltpu.sync_copy(vm_pi, pi_hbm.at[pl.ds(ofs, 16)])


def _k2_body(inp12_ref, pm_ref, ps_ref, pi_ref,
             inpt_ref, stdpt_ref, next_ref):
    m = pm_ref[...]
    s = ps_ref[...]
    i = pi_ref[...]
    minv = jnp.min(m)
    mask = m == minv
    sm = jnp.where(mask, s, -_INF)
    smax = jnp.max(sm)
    ibig = jnp.where(mask & (sm == smax), i, jnp.int32(2**31 - 1))
    iid = jnp.min(ibig)

    j = pl.program_id(0)
    col1 = j * _BQ + lax.broadcasted_iota(jnp.int32, (1, _BQ), 1)
    next_ref[...] = jnp.where(col1 == iid, minv, _INF).reshape(1, 1, _BQ)
    colp = j * _BQ + lax.broadcasted_iota(jnp.int32, (_P, _BQ), 1)
    stdpt_ref[...] = jnp.where(colp == iid, minv, _INF)
    inpt_ref[...] = jnp.broadcast_to(inp12_ref[...], (_P, _BQ))


@jax.jit
def _run(inp16, inp12c, weights):
    k1 = pl.kernel(
        _k1_body,
        out_type=[
            jax.ShapeDtypeStruct((_NW * 16,), jnp.float32),
            jax.ShapeDtypeStruct((_NW * 16,), jnp.float32),
            jax.ShapeDtypeStruct((_NW * 16,), jnp.int32),
        ],
        mesh=_mesh,
        scratch_types=[
            pltpu.VMEM((16,), jnp.float32),
            pltpu.VMEM((16,), jnp.int32),
            pltpu.VMEM((_RPT * _P,), jnp.float32),
            pltpu.VMEM((16,), jnp.float32),
            pltpu.VMEM((16,), jnp.float32),
            pltpu.VMEM((16,), jnp.int32),
            pltpu.SemaphoreType.DMA,
        ],
        compiler_params=_params,
        name="tnn_k1",
    )
    pm, ps, pi = k1(inp16, weights.reshape(-1))
    grid = (_Q + _BQ - 1) // _BQ
    full = pl.BlockSpec((_NW, 16), lambda j: (0, 0))
    inpt, stdpt, nxt = pl.pallas_call(
        _k2_body,
        grid=(grid,),
        in_specs=[
            pl.BlockSpec((_P, 1), lambda j: (0, 0)),
            full, full, full,
        ],
        out_specs=[
            pl.BlockSpec((_P, _BQ), lambda j: (0, j)),
            pl.BlockSpec((_P, _BQ), lambda j: (0, j)),
            pl.BlockSpec((1, 1, _BQ), lambda j: (0, 0, j)),
        ],
        out_shape=[
            jax.ShapeDtypeStruct((_P, _Q), jnp.float32),
            jax.ShapeDtypeStruct((_P, _Q), jnp.float32),
            jax.ShapeDtypeStruct((1, 1, _Q), jnp.float32),
        ],
        name="tnn_k2",
    )(inp12c, pm.reshape(_NW, 16), ps.reshape(_NW, 16), pi.reshape(_NW, 16))
    return inpt, stdpt, nxt


def kernel(data, weights):
    inp12 = jnp.tile(data.astype(jnp.float32).reshape(-1), 3)
    inp16 = jnp.concatenate([inp12, jnp.full((4,), _INF, jnp.float32)])
    inpt, stdpt, nxt = _run(inp16, inp12.reshape(_P, 1), weights)
    return (nxt, inpt.T, stdpt.T)

# --- scband reference (transcript-rebuilt; emitter-appended) ---
"""Pipeline reference for scband-tnncolumn-layer-4423816315176 (READ-ONLY COPY).

The authoritative reference and input builder live on the scoring server;
editing this copy changes nothing except your own understanding.
"""

import jax, jax.numpy as jnp
import numpy as np

Q = 250000
P = 12
WMAX = 2 ** 3 - 1
THETA = 20.0
RF = 2


def setup_inputs(seed: int = 0) -> dict:
    key = jax.random.key(seed)
    data = jax.random.uniform(key, (2, 2), dtype=jnp.float32)
    weights = (WMAX / 2.0) * jnp.ones((Q, P), dtype=jnp.float32)
    return {"data": data, "weights": weights}


def _forward(data, weights):
    inf = jnp.inf
    # data.unfold(0, rf, 1).unfold(1, 2, 1) on [2,2] -> [1,1,2,2] with u[0,0,i,k]=data[i,k]
    sliced = data.reshape(1, 1, RF, 2)
    # unsqueeze(2).repeat(1,1,q,3,1,1).reshape(num, p)
    inp = jnp.tile(sliced.reshape(1, 1, 1, 1, RF, 2), (1, 1, Q, 3, 1, 1)).reshape(Q, P)
    eff_w = jnp.where(inp == inf, 0.0, weights)
    sorted_idx = jnp.argsort(inp, axis=1)
    sorted_times = jnp.take_along_axis(inp, sorted_idx, axis=1)
    sorted_w = jnp.take_along_axis(eff_w, sorted_idx, axis=1)
    cum = jnp.cumsum(sorted_w, axis=1)
    temp_pot = jnp.where(cum < THETA, 0, 1)
    constdec = jnp.arange(P, 0, -1)
    indices = jnp.argmax(temp_pot * constdec, axis=1)
    rows = jnp.arange(Q)
    ec = sorted_times[rows, indices]
    nullspike = jnp.sum(temp_pot, axis=1) == 0
    ec = jnp.where(nullspike, inf, ec)
    pot = cum[rows, indices]
    # rnl response computation (computed for all rows, masked by nonnull)
    constw = jnp.arange(WMAX, dtype=jnp.float32)
    rnl_t = ec[:, None] + constw[None, :]                      # [Q, WMAX]
    resp_un = rnl_t[:, :, None] + 1.0 - inp[:, None, :]        # [Q, WMAX, P]
    resp = jnp.maximum(jnp.minimum(resp_un, weights[:, None, :]), 0.0)
    respsum = jnp.sum(resp, axis=2)                            # [Q, WMAX]
    binr = jnp.where(respsum < THETA, 0.0, 1.0)
    constw2 = jnp.arange(WMAX, 0, -1).astype(jnp.float32)
    ind2 = jnp.argmax(binr * constw2, axis=1)
    ec_rnl = ec + ind2.astype(ec.dtype)
    pot_rnl = respsum[rows, ind2]
    nonnull = jnp.logical_not(nullspike)
    ec = jnp.where(nonnull, ec_rnl, ec)
    pot = jnp.where(nonnull, pot_rnl, pot)
    # lateral inhibition (WTA) with scatter
    ec2 = ec.reshape(-1, Q)
    pot2 = pot.reshape(-1, Q)
    minv = jnp.min(ec2, axis=1)
    modpot = jnp.where(ec2 == minv[:, None], pot2, -1.0)
    iid = jnp.argmax(modpot, axis=1)
    li = jnp.full((1, Q), inf, dtype=jnp.float32).at[jnp.arange(1), iid].set(minv)
    out_next = li.reshape(1, 1, Q)
    out_stdp = jnp.tile(li.reshape(-1, 1), (1, P))
    return (out_next, inp, out_stdp)


def reference(data, weights):
    return _forward(data, weights)

if __name__ == "__main__":
    import jax
    _d = setup_inputs()
    print(jax.jit(kernel)(*tuple(_d.values())))

</pallas_src>

<mosaic_0001>
#map = affine_map<(d0, d1) -> (0)>
module attributes {stable_mosaic.version = 14 : i64} {
  func.func @tnn_k1(%arg0: i32, %arg1: i32, %arg2: memref<16xf32, #tpu.memory_space<hbm>>, %arg3: memref<3000000xf32, #tpu.memory_space<hbm>>, %arg4: memref<512xf32, #tpu.memory_space<hbm>>, %arg5: memref<512xf32, #tpu.memory_space<hbm>>, %arg6: memref<512xi32, #tpu.memory_space<hbm>>, %arg7: memref<16xf32, #tpu.memory_space<vmem>>, %arg8: memref<16xi32, #tpu.memory_space<vmem>>, %arg9: memref<93888xf32, #tpu.memory_space<vmem>>, %arg10: memref<16xf32, #tpu.memory_space<vmem>>, %arg11: memref<16xf32, #tpu.memory_space<vmem>>, %arg12: memref<16xi32, #tpu.memory_space<vmem>>, %arg13: memref<!tpu.dma_semaphore, #tpu.memory_space<semaphore_mem>>) attributes {dimension_semantics = [#tpu.dimension_semantics<core_parallel>, #tpu.dimension_semantics<subcore_parallel>], iteration_bounds = array<i64: 2, 16>, scalar_prefetch = 0 : i64, scratch_operands = 7 : i64, tpu.core_type = #tpu.core_type<sc_vector_subcore>, window_params = [{transform_indices = #map}, {transform_indices = #map}, {transform_indices = #map}, {transform_indices = #map}, {transform_indices = #map}]} {
    %mul3A = arith.constant 16 : i32
    %mul3A_0 = arith.muli %arg0, %mul3A : i32
    %add3A = arith.addi %mul3A_0, %arg1 : i32
    %mul3A_1 = arith.constant 7824 : i32
    %mul3A_2 = arith.muli %add3A, %mul3A_1 : i32
    %min3A = arith.constant 242176 : i32
    %min3A_3 = arith.minsi %mul3A_2, %min3A : i32
    %mul3A_4 = arith.constant 12 : i32
    %mul3A_5 = arith.muli %min3A_3, %mul3A_4 : i32
    %multiple_of3A = tpu.assume_multiple %mul3A_5, 8 : i32
    %dma_start3A = tpu.memref_slice %arg3[%multiple_of3A] : memref<3000000xf32, #tpu.memory_space<hbm>> -> memref<93888xf32, #tpu.memory_space<hbm>>
    %dma_start3A_6 = tpu.memref_slice %arg3[%multiple_of3A] : memref<3000000xf32, #tpu.memory_space<hbm>> -> memref<93888xf32, #tpu.memory_space<hbm>>
    tpu.enqueue_dma source(%dma_start3A_6 : memref<93888xf32, #tpu.memory_space<hbm>>) target(%arg9 : memref<93888xf32, #tpu.memory_space<vmem>>) target_semaphore(%arg13 : memref<!tpu.dma_semaphore, #tpu.memory_space<semaphore_mem>>)
    "tpu.region"() ({
      %run_scoped3A = tpu.sem_alloc : memref<!tpu.dma_semaphore, #tpu.memory_space<semaphore_mem>>
      tpu.enqueue_dma source(%arg2 : memref<16xf32, #tpu.memory_space<hbm>>) target(%arg7 : memref<16xf32, #tpu.memory_space<vmem>>) target_semaphore(%run_scoped3A : memref<!tpu.dma_semaphore, #tpu.memory_space<semaphore_mem>>)
      tpu.wait_dma2 semaphore(%run_scoped3A : memref<!tpu.dma_semaphore, #tpu.memory_space<semaphore_mem>>) src(%arg2 : memref<16xf32, #tpu.memory_space<hbm>>) dst(%arg7 : memref<16xf32, #tpu.memory_space<vmem>>)
      tpu.yield
    }) : () -> ()
    %get3A = arith.constant 0 : index
    %get3A_7 = tpu.vector_load %arg7[%get3A] {strides = array<i32>} : memref<16xf32, #tpu.memory_space<vmem>>, vector<16xf32>,
    %iota3A = tpu.iota {dimensions = array<i32: 0>} : vector<16xi32>
    %broadcast_in_dim3A = arith.constant 1 : i32
    %broadcast_in_dim3A_8 = vector.broadcast %broadcast_in_dim3A : i32 to vector<16xi32>
    %broadcast_in_dim3A_9 = arith.constant 0 : i32
    %broadcast_in_dim3A_10 = vector.broadcast %broadcast_in_dim3A_9 : i32 to vector<16xi32>
    %slice3A = vector.extract_strided_slice %get3A_7 {offsets = [0], sizes = [1], strides = [1]} : vector<16xf32> to vector<1xf32>
    %squeeze3A = vector.extract %slice3A[0] : f32 from vector<1xf32>
    %broadcast_in_dim3A_11 = vector.broadcast %squeeze3A : f32 to vector<16xf32>
    %lt3A = arith.cmpf olt, %broadcast_in_dim3A_11, %get3A_7 : vector<16xf32>
    %select_n3A = arith.select %lt3A, %broadcast_in_dim3A_8, %broadcast_in_dim3A_10 : vector<16xi1>, vector<16xi32>
    %add3A_12 = arith.addi %broadcast_in_dim3A_10, %select_n3A : vector<16xi32>
    %eq3A = arith.cmpf oeq, %broadcast_in_dim3A_11, %get3A_7 : vector<16xf32>
    %gt3A = arith.constant 0 : i32
    %gt3A_13 = vector.broadcast %gt3A : i32 to vector<16xi32>
    %gt3A_14 = arith.cmpi sgt, %iota3A, %gt3A_13 : vector<16xi32>
    %and3A = arith.andi %eq3A, %gt3A_14 : vector<16xi1>
    %select_n3A_15 = arith.select %and3A, %broadcast_in_dim3A_8, %broadcast_in_dim3A_10 : vector<16xi1>, vector<16xi32>
    %add3A_16 = arith.addi %add3A_12, %select_n3A_15 : vector<16xi32>
    %slice3A_17 = vector.extract_strided_slice %get3A_7 {offsets = [1], sizes = [1], strides = [1]} : vector<16xf32> to vector<1xf32>
    %squeeze3A_18 = vector.extract %slice3A_17[0] : f32 from vector<1xf32>
    %broadcast_in_dim3A_19 = vector.broadcast %squeeze3A_18 : f32 to vector<16xf32>
    %lt3A_20 = arith.cmpf olt, %broadcast_in_dim3A_19, %get3A_7 : vector<16xf32>
    %select_n3A_21 = arith.select %lt3A_20, %broadcast_in_dim3A_8, %broadcast_in_dim3A_10 : vector<16xi1>, vector<16xi32>
    %add3A_22 = arith.addi %add3A_16, %select_n3A_21 : vector<16xi32>
    %eq3A_23 = arith.cmpf oeq, %broadcast_in_dim3A_19, %get3A_7 : vector<16xf32>
    %gt3A_24 = arith.constant 1 : i32
    %gt3A_25 = vector.broadcast %gt3A_24 : i32 to vector<16xi32>
    %gt3A_26 = arith.cmpi sgt, %iota3A, %gt3A_25 : vector<16xi32>
    %and3A_27 = arith.andi %eq3A_23, %gt3A_26 : vector<16xi1>
    %select_n3A_28 = arith.select %and3A_27, %broadcast_in_dim3A_8, %broadcast_in_dim3A_10 : vector<16xi1>, vector<16xi32>
    %add3A_29 = arith.addi %add3A_22, %select_n3A_28 : vector<16xi32>
    %slice3A_30 = vector.extract_strided_slice %get3A_7 {offsets = [2], sizes = [1], strides = [1]} : vector<16xf32> to vector<1xf32>
    %squeeze3A_31 = vector.extract %slice3A_30[0] : f32 from vector<1xf32>
    %broadcast_in_dim3A_32 = vector.broadcast %squeeze3A_31 : f32 to vector<16xf32>
    %lt3A_33 = arith.cmpf olt, %broadcast_in_dim3A_32, %get3A_7 : vector<16xf32>
    %select_n3A_34 = arith.select %lt3A_33, %broadcast_in_dim3A_8, %broadcast_in_dim3A_10 : vector<16xi1>, vector<16xi32>
    %add3A_35 = arith.addi %add3A_29, %select_n3A_34 : vector<16xi32>
    %eq3A_36 = arith.cmpf oeq, %broadcast_in_dim3A_32, %get3A_7 : vector<16xf32>
    %gt3A_37 = arith.constant 2 : i32
    %gt3A_38 = vector.broadcast %gt3A_37 : i32 to vector<16xi32>
    %gt3A_39 = arith.cmpi sgt, %iota3A, %gt3A_38 : vector<16xi32>
    %and3A_40 = arith.andi %eq3A_36, %gt3A_39 : vector<16xi1>
    %select_n3A_41 = arith.select %and3A_40, %broadcast_in_dim3A_8, %broadcast_in_dim3A_10 : vector<16xi1>, vector<16xi32>
    %add3A_42 = arith.addi %add3A_35, %select_n3A_41 : vector<16xi32>
    %slice3A_43 = vector.extract_strided_slice %get3A_7 {offsets = [3], sizes = [1], strides = [1]} : vector<16xf32> to vector<1xf32>
    %squeeze3A_44 = vector.extract %slice3A_43[0] : f32 from vector<1xf32>
    %broadcast_in_dim3A_45 = vector.broadcast %squeeze3A_44 : f32 to vector<16xf32>
    %lt3A_46 = arith.cmpf olt, %broadcast_in_dim3A_45, %get3A_7 : vector<16xf32>
    %select_n3A_47 = arith.select %lt3A_46, %broadcast_in_dim3A_8, %broadcast_in_dim3A_10 : vector<16xi1>, vector<16xi32>
    %add3A_48 = arith.addi %add3A_42, %select_n3A_47 : vector<16xi32>
    %eq3A_49 = arith.cmpf oeq, %broadcast_in_dim3A_45, %get3A_7 : vector<16xf32>
    %gt3A_50 = arith.constant 3 : i32
    %gt3A_51 = vector.broadcast %gt3A_50 : i32 to vector<16xi32>
    %gt3A_52 = arith.cmpi sgt, %iota3A, %gt3A_51 : vector<16xi32>
    %and3A_53 = arith.andi %eq3A_49, %gt3A_52 : vector<16xi1>
    %select_n3A_54 = arith.select %and3A_53, %broadcast_in_dim3A_8, %broadcast_in_dim3A_10 : vector<16xi1>, vector<16xi32>
    %add3A_55 = arith.addi %add3A_48, %select_n3A_54 : vector<16xi32>
    %slice3A_56 = vector.extract_strided_slice %get3A_7 {offsets = [4], sizes = [1], strides = [1]} : vector<16xf32> to vector<1xf32>
    %squeeze3A_57 = vector.extract %slice3A_56[0] : f32 from vector<1xf32>
    %broadcast_in_dim3A_58 = vector.broadcast %squeeze3A_57 : f32 to vector<16xf32>
    %lt3A_59 = arith.cmpf olt, %broadcast_in_dim3A_58, %get3A_7 : vector<16xf32>
    %select_n3A_60 = arith.select %lt3A_59, %broadcast_in_dim3A_8, %broadcast_in_dim3A_10 : vector<16xi1>, vector<16xi32>
    %add3A_61 = arith.addi %add3A_55, %select_n3A_60 : vector<16xi32>
    %eq3A_62 = arith.cmpf oeq, %broadcast_in_dim3A_58, %get3A_7 : vector<16xf32>
    %gt3A_63 = arith.constant 4 : i32
    %gt3A_64 = vector.broadcast %gt3A_63 : i32 to vector<16xi32>
    %gt3A_65 = arith.cmpi sgt, %iota3A, %gt3A_64 : vector<16xi32>
    %and3A_66 = arith.andi %eq3A_62, %gt3A_65 : vector<16xi1>
    %select_n3A_67 = arith.select %and3A_66, %broadcast_in_dim3A_8, %broadcast_in_dim3A_10 : vector<16xi1>, vector<16xi32>
    %add3A_68 = arith.addi %add3A_61, %select_n3A_67 : vector<16xi32>
    %slice3A_69 = vector.extract_strided_slice %get3A_7 {offsets = [5], sizes = [1], strides = [1]} : vector<16xf32> to vector<1xf32>
    %squeeze3A_70 = vector.extract %slice3A_69[0] : f32 from vector<1xf32>
    %broadcast_in_dim3A_71 = vector.broadcast %squeeze3A_70 : f32 to vector<16xf32>
    %lt3A_72 = arith.cmpf olt, %broadcast_in_dim3A_71, %get3A_7 : vector<16xf32>
    %select_n3A_73 = arith.select %lt3A_72, %broadcast_in_dim3A_8, %broadcast_in_dim3A_10 : vector<16xi1>, vector<16xi32>
    %add3A_74 = arith.addi %add3A_68, %select_n3A_73 : vector<16xi32>
    %eq3A_75 = arith.cmpf oeq, %broadcast_in_dim3A_71, %get3A_7 : vector<16xf32>
    %gt3A_76 = arith.constant 5 : i32
    %gt3A_77 = vector.broadcast %gt3A_76 : i32 to vector<16xi32>
    %gt3A_78 = arith.cmpi sgt, %iota3A, %gt3A_77 : vector<16xi32>
    %and3A_79 = arith.andi %eq3A_75, %gt3A_78 : vector<16xi1>
    %select_n3A_80 = arith.select %and3A_79, %broadcast_in_dim3A_8, %broadcast_in_dim3A_10 : vector<16xi1>, vector<16xi32>
    %add3A_81 = arith.addi %add3A_74, %select_n3A_80 : vector<16xi32>
    %slice3A_82 = vector.extract_strided_slice %get3A_7 {offsets = [6], sizes = [1], strides = [1]} : vector<16xf32> to vector<1xf32>
    %squeeze3A_83 = vector.extract %slice3A_82[0] : f32 from vector<1xf32>
    %broadcast_in_dim3A_84 = vector.broadcast %squeeze3A_83 : f32 to vector<16xf32>
    %lt3A_85 = arith.cmpf olt, %broadcast_in_dim3A_84, %get3A_7 : vector<16xf32>
    %select_n3A_86 = arith.select %lt3A_85, %broadcast_in_dim3A_8, %broadcast_in_dim3A_10 : vector<16xi1>, vector<16xi32>
    %add3A_87 = arith.addi %add3A_81, %select_n3A_86 : vector<16xi32>
    %eq3A_88 = arith.cmpf oeq, %broadcast_in_dim3A_84, %get3A_7 : vector<16xf32>
    %gt3A_89 = arith.constant 6 : i32
    %gt3A_90 = vector.broadcast %gt3A_89 : i32 to vector<16xi32>
    %gt3A_91 = arith.cmpi sgt, %iota3A, %gt3A_90 : vector<16xi32>
    %and3A_92 = arith.andi %eq3A_88, %gt3A_91 : vector<16xi1>
    %select_n3A_93 = arith.select %and3A_92, %broadcast_in_dim3A_8, %broadcast_in_dim3A_10 : vector<16xi1>, vector<16xi32>
    %add3A_94 = arith.addi %add3A_87, %select_n3A_93 : vector<16xi32>
    %slice3A_95 = vector.extract_strided_slice %get3A_7 {offsets = [7], sizes = [1], strides = [1]} : vector<16xf32> to vector<1xf32>
    %squeeze3A_96 = vector.extract %slice3A_95[0] : f32 from vector<1xf32>
    %broadcast_in_dim3A_97 = vector.broadcast %squeeze3A_96 : f32 to vector<16xf32>
    %lt3A_98 = arith.cmpf olt, %broadcast_in_dim3A_97, %get3A_7 : vector<16xf32>
    %select_n3A_99 = arith.select %lt3A_98, %broadcast_in_dim3A_8, %broadcast_in_dim3A_10 : vector<16xi1>, vector<16xi32>
    %add3A_100 = arith.addi %add3A_94, %select_n3A_99 : vector<16xi32>
    %eq3A_101 = arith.cmpf oeq, %broadcast_in_dim3A_97, %get3A_7 : vector<16xf32>
    %gt3A_102 = arith.constant 7 : i32
    %gt3A_103 = vector.broadcast %gt3A_102 : i32 to vector<16xi32>
    %gt3A_104 = arith.cmpi sgt, %iota3A, %gt3A_103 : vector<16xi32>
    %and3A_105 = arith.andi %eq3A_101, %gt3A_104 : vector<16xi1>
    %select_n3A_106 = arith.select %and3A_105, %broadcast_in_dim3A_8, %broadcast_in_dim3A_10 : vector<16xi1>, vector<16xi32>
    %add3A_107 = arith.addi %add3A_100, %select_n3A_106 : vector<16xi32>
    %slice3A_108 = vector.extract_strided_slice %get3A_7 {offsets = [8], sizes = [1], strides = [1]} : vector<16xf32> to vector<1xf32>
    %squeeze3A_109 = vector.extract %slice3A_108[0] : f32 from vector<1xf32>
    %broadcast_in_dim3A_110 = vector.broadcast %squeeze3A_109 : f32 to vector<16xf32>
    %lt3A_111 = arith.cmpf olt, %broadcast_in_dim3A_110, %get3A_7 : vector<16xf32>
    %select_n3A_112 = arith.select %lt3A_111, %broadcast_in_dim3A_8, %broadcast_in_dim3A_10 : vector<16xi1>, vector<16xi32>
    %add3A_113 = arith.addi %add3A_107, %select_n3A_112 : vector<16xi32>
    %eq3A_114 = arith.cmpf oeq, %broadcast_in_dim3A_110, %get3A_7 : vector<16xf32>
    %gt3A_115 = arith.constant 8 : i32
    %gt3A_116 = vector.broadcast %gt3A_115 : i32 to vector<16xi32>
    %gt3A_117 = arith.cmpi sgt, %iota3A, %gt3A_116 : vector<16xi32>
    %and3A_118 = arith.andi %eq3A_114, %gt3A_117 : vector<16xi1>
    %select_n3A_119 = arith.select %and3A_118, %broadcast_in_dim3A_8, %broadcast_in_dim3A_10 : vector<16xi1>, vector<16xi32>
    %add3A_120 = arith.addi %add3A_113, %select_n3A_119 : vector<16xi32>
    %slice3A_121 = vector.extract_strided_slice %get3A_7 {offsets = [9], sizes = [1], strides = [1]} : vector<16xf32> to vector<1xf32>
    %squeeze3A_122 = vector.extract %slice3A_121[0] : f32 from vector<1xf32>
    %broadcast_in_dim3A_123 = vector.broadcast %squeeze3A_122 : f32 to vector<16xf32>
    %lt3A_124 = arith.cmpf olt, %broadcast_in_dim3A_123, %get3A_7 : vector<16xf32>
    %select_n3A_125 = arith.select %lt3A_124, %broadcast_in_dim3A_8, %broadcast_in_dim3A_10 : vector<16xi1>, vector<16xi32>
    %add3A_126 = arith.addi %add3A_120, %select_n3A_125 : vector<16xi32>
    %eq3A_127 = arith.cmpf oeq, %broadcast_in_dim3A_123, %get3A_7 : vector<16xf32>
    %gt3A_128 = arith.constant 9 : i32
    %gt3A_129 = vector.broadcast %gt3A_128 : i32 to vector<16xi32>
    %gt3A_130 = arith.cmpi sgt, %iota3A, %gt3A_129 : vector<16xi32>
    %and3A_131 = arith.andi %eq3A_127, %gt3A_130 : vector<16xi1>
    %select_n3A_132 = arith.select %and3A_131, %broadcast_in_dim3A_8, %broadcast_in_dim3A_10 : vector<16xi1>, vector<16xi32>
    %add3A_133 = arith.addi %add3A_126, %select_n3A_132 : vector<16xi32>
    %slice3A_134 = vector.extract_strided_slice %get3A_7 {offsets = [10], sizes = [1], strides = [1]} : vector<16xf32> to vector<1xf32>
    %squeeze3A_135 = vector.extract %slice3A_134[0] : f32 from vector<1xf32>
    %broadcast_in_dim3A_136 = vector.broadcast %squeeze3A_135 : f32 to vector<16xf32>
    %lt3A_137 = arith.cmpf olt, %broadcast_in_dim3A_136, %get3A_7 : vector<16xf32>
    %select_n3A_138 = arith.select %lt3A_137, %broadcast_in_dim3A_8, %broadcast_in_dim3A_10 : vector<16xi1>, vector<16xi32>
    %add3A_139 = arith.addi %add3A_133, %select_n3A_138 : vector<16xi32>
    %eq3A_140 = arith.cmpf oeq, %broadcast_in_dim3A_136, %get3A_7 : vector<16xf32>
    %gt3A_141 = arith.constant 10 : i32
    %gt3A_142 = vector.broadcast %gt3A_141 : i32 to vector<16xi32>
    %gt3A_143 = arith.cmpi sgt, %iota3A, %gt3A_142 : vector<16xi32>
    %and3A_144 = arith.andi %eq3A_140, %gt3A_143 : vector<16xi1>
    %select_n3A_145 = arith.select %and3A_144, %broadcast_in_dim3A_8, %broadcast_in_dim3A_10 : vector<16xi1>, vector<16xi32>
    %add3A_146 = arith.addi %add3A_139, %select_n3A_145 : vector<16xi32>
    %slice3A_147 = vector.extract_strided_slice %get3A_7 {offsets = [11], sizes = [1], strides = [1]} : vector<16xf32> to vector<1xf32>
    %squeeze3A_148 = vector.extract %slice3A_147[0] : f32 from vector<1xf32>
    %broadcast_in_dim3A_149 = vector.broadcast %squeeze3A_148 : f32 to vector<16xf32>
    %lt3A_150 = arith.cmpf olt, %broadcast_in_dim3A_149, %get3A_7 : vector<16xf32>
    %select_n3A_151 = arith.select %lt3A_150, %broadcast_in_dim3A_8, %broadcast_in_dim3A_10 : vector<16xi1>, vector<16xi32>
    %add3A_152 = arith.addi %add3A_146, %select_n3A_151 : vector<16xi32>
    %eq3A_153 = arith.cmpf oeq, %broadcast_in_dim3A_149, %get3A_7 : vector<16xf32>
    %gt3A_154 = arith.constant 11 : i32
    %gt3A_155 = vector.broadcast %gt3A_154 : i32 to vector<16xi32>
    %gt3A_156 = arith.cmpi sgt, %iota3A, %gt3A_155 : vector<16xi32>
    %and3A_157 = arith.andi %eq3A_153, %gt3A_156 : vector<16xi1>
    %select_n3A_158 = arith.select %and3A_157, %broadcast_in_dim3A_8, %broadcast_in_dim3A_10 : vector<16xi1>, vector<16xi32>
    %add3A_159 = arith.addi %add3A_152, %select_n3A_158 : vector<16xi32>
    %lt3A_160 = arith.constant 12 : i32
    %lt3A_161 = vector.broadcast %lt3A_160 : i32 to vector<16xi32>
    %lt3A_162 = arith.cmpi slt, %iota3A, %lt3A_161 : vector<16xi32>
    %select_n3A_163 = arith.select %lt3A_162, %add3A_159, %iota3A : vector<16xi1>, vector<16xi32>
    tpu.vector_store_idx %arg8[%select_n3A_163], %iota3A : memref<16xi32, #tpu.memory_space<vmem>>[vector<16xi32>], vector<16xi32>,
    %get3A_164 = arith.constant 0 : index
    %get3A_165 = tpu.vector_load %arg8[%get3A_164] {strides = array<i32>} : memref<16xi32, #tpu.memory_space<vmem>>, vector<16xi32>,
    %gather3A = tpu.vector_load_idx %arg7[%get3A_165] : memref<16xf32, #tpu.memory_space<vmem>>[vector<16xi32>], vector<16xf32>,
    %slice3A_166 = vector.extract_strided_slice %get3A_165 {offsets = [0], sizes = [1], strides = [1]} : vector<16xi32> to vector<1xi32>
    %squeeze3A_167 = vector.extract %slice3A_166[0] : i32 from vector<1xi32>
    %slice3A_168 = vector.extract_strided_slice %get3A_165 {offsets = [1], sizes = [1], strides = [1]} : vector<16xi32> to vector<1xi32>
    %squeeze3A_169 = vector.extract %slice3A_168[0] : i32 from vector<1xi32>
    %slice3A_170 = vector.extract_strided_slice %get3A_165 {offsets = [2], sizes = [1], strides = [1]} : vector<16xi32> to vector<1xi32>
    %squeeze3A_171 = vector.extract %slice3A_170[0] : i32 from vector<1xi32>
    %slice3A_172 = vector.extract_strided_slice %get3A_165 {offsets = [3], sizes = [1], strides = [1]} : vector<16xi32> to vector<1xi32>
    %squeeze3A_173 = vector.extract %slice3A_172[0] : i32 from vector<1xi32>
    %slice3A_174 = vector.extract_strided_slice %get3A_165 {offsets = [4], sizes = [1], strides = [1]} : vector<16xi32> to vector<1xi32>
    %squeeze3A_175 = vector.extract %slice3A_174[0] : i32 from vector<1xi32>
    %slice3A_176 = vector.extract_strided_slice %get3A_165 {offsets = [5], sizes = [1], strides = [1]} : vector<16xi32> to vector<1xi32>
    %squeeze3A_177 = vector.extract %slice3A_176[0] : i32 from vector<1xi32>
    %slice3A_178 = vector.extract_strided_slice %get3A_165 {offsets = [6], sizes = [1], strides = [1]} : vector<16xi32> to vector<1xi32>
    %squeeze3A_179 = vector.extract %slice3A_178[0] : i32 from vector<1xi32>
    %slice3A_180 = vector.extract_strided_slice %get3A_165 {offsets = [7], sizes = [1], strides = [1]} : vector<16xi32> to vector<1xi32>
    %squeeze3A_181 = vector.extract %slice3A_180[0] : i32 from vector<1xi32>
    %slice3A_182 = vector.extract_strided_slice %get3A_165 {offsets = [8], sizes = [1], strides = [1]} : vector<16xi32> to vector<1xi32>
    %squeeze3A_183 = vector.extract %slice3A_182[0] : i32 from vector<1xi32>
    %slice3A_184 = vector.extract_strided_slice %get3A_165 {offsets = [9], sizes = [1], strides = [1]} : vector<16xi32> to vector<1xi32>
    %squeeze3A_185 = vector.extract %slice3A_184[0] : i32 from vector<1xi32>
    %slice3A_186 = vector.extract_strided_slice %get3A_165 {offsets = [10], sizes = [1], strides = [1]} : vector<16xi32> to vector<1xi32>
    %squeeze3A_187 = vector.extract %slice3A_186[0] : i32 from vector<1xi32>
    %slice3A_188 = vector.extract_strided_slice %get3A_165 {offsets = [11], sizes = [1], strides = [1]} : vector<16xi32> to vector<1xi32>
    %squeeze3A_189 = vector.extract %slice3A_188[0] : i32 from vector<1xi32>
    %slice3A_190 = vector.extract_strided_slice %gather3A {offsets = [0], sizes = [1], strides = [1]} : vector<16xf32> to vector<1xf32>
    %squeeze3A_191 = vector.extract %slice3A_190[0] : f32 from vector<1xf32>
    %slice3A_192 = vector.extract_strided_slice %gather3A {offsets = [1], sizes = [1], strides = [1]} : vector<16xf32> to vector<1xf32>
    %squeeze3A_193 = vector.extract %slice3A_192[0] : f32 from vector<1xf32>
    %slice3A_194 = vector.extract_strided_slice %gather3A {offsets = [2], sizes = [1], strides = [1]} : vector<16xf32> to vector<1xf32>
    %squeeze3A_195 = vector.extract %slice3A_194[0] : f32 from vector<1xf32>
    %slice3A_196 = vector.extract_strided_slice %gather3A {offsets = [3], sizes = [1], strides = [1]} : vector<16xf32> to vector<1xf32>
    %squeeze3A_197 = vector.extract %slice3A_196[0] : f32 from vector<1xf32>
    %slice3A_198 = vector.extract_strided_slice %gather3A {offsets = [4], sizes = [1], strides = [1]} : vector<16xf32> to vector<1xf32>
    %squeeze3A_199 = vector.extract %slice3A_198[0] : f32 from vector<1xf32>
    %slice3A_200 = vector.extract_strided_slice %gather3A {offsets = [5], sizes = [1], strides = [1]} : vector<16xf32> to vector<1xf32>
    %squeeze3A_201 = vector.extract %slice3A_200[0] : f32 from vector<1xf32>
    %slice3A_202 = vector.extract_strided_slice %gather3A {offsets = [6], sizes = [1], strides = [1]} : vector<16xf32> to vector<1xf32>
    %squeeze3A_203 = vector.extract %slice3A_202[0] : f32 from vector<1xf32>
    %slice3A_204 = vector.extract_strided_slice %gather3A {offsets = [7], sizes = [1], strides = [1]} : vector<16xf32> to vector<1xf32>
    %squeeze3A_205 = vector.extract %slice3A_204[0] : f32 from vector<1xf32>
    %slice3A_206 = vector.extract_strided_slice %gather3A {offsets = [8], sizes = [1], strides = [1]} : vector<16xf32> to vector<1xf32>
    %squeeze3A_207 = vector.extract %slice3A_206[0] : f32 from vector<1xf32>
    %slice3A_208 = vector.extract_strided_slice %gather3A {offsets = [9], sizes = [1], strides = [1]} : vector<16xf32> to vector<1xf32>
    %squeeze3A_209 = vector.extract %slice3A_208[0] : f32 from vector<1xf32>
    %slice3A_210 = vector.extract_strided_slice %gather3A {offsets = [10], sizes = [1], strides = [1]} : vector<16xf32> to vector<1xf32>
    %squeeze3A_211 = vector.extract %slice3A_210[0] : f32 from vector<1xf32>
    %slice3A_212 = vector.extract_strided_slice %gather3A {offsets = [11], sizes = [1], strides = [1]} : vector<16xf32> to vector<1xf32>
    %squeeze3A_213 = vector.extract %slice3A_212[0] : f32 from vector<1xf32>
    %sub3A = arith.constant 1.000000e+00 : f32
    %sub3A_214 = arith.subf %sub3A, %squeeze3A_191 : f32
    %broadcast_in_dim3A_215 = vector.broadcast %sub3A_214 : f32 to vector<16xf32>
    %sub3A_216 = arith.constant 1.000000e+00 : f32
    %sub3A_217 = arith.subf %sub3A_216, %squeeze3A_193 : f32
    %broadcast_in_dim3A_218 = vector.broadcast %sub3A_217 : f32 to vector<16xf32>
    %sub3A_219 = arith.constant 1.000000e+00 : f32
    %sub3A_220 = arith.subf %sub3A_219, %squeeze3A_195 : f32
    %broadcast_in_dim3A_221 = vector.broadcast %sub3A_220 : f32 to vector<16xf32>
    %sub3A_222 = arith.constant 1.000000e+00 : f32
    %sub3A_223 = arith.subf %sub3A_222, %squeeze3A_197 : f32
    %broadcast_in_dim3A_224 = vector.broadcast %sub3A_223 : f32 to vector<16xf32>
    %sub3A_225 = arith.constant 1.000000e+00 : f32
    %sub3A_226 = arith.subf %sub3A_225, %squeeze3A_199 : f32
    %broadcast_in_dim3A_227 = vector.broadcast %sub3A_226 : f32 to vector<16xf32>
    %sub3A_228 = arith.constant 1.000000e+00 : f32
    %sub3A_229 = arith.subf %sub3A_228, %squeeze3A_201 : f32
    %broadcast_in_dim3A_230 = vector.broadcast %sub3A_229 : f32 to vector<16xf32>
    %sub3A_231 = arith.constant 1.000000e+00 : f32
    %sub3A_232 = arith.subf %sub3A_231, %squeeze3A_203 : f32
    %broadcast_in_dim3A_233 = vector.broadcast %sub3A_232 : f32 to vector<16xf32>
    %sub3A_234 = arith.constant 1.000000e+00 : f32
    %sub3A_235 = arith.subf %sub3A_234, %squeeze3A_205 : f32
    %broadcast_in_dim3A_236 = vector.broadcast %sub3A_235 : f32 to vector<16xf32>
    %sub3A_237 = arith.constant 1.000000e+00 : f32
    %sub3A_238 = arith.subf %sub3A_237, %squeeze3A_207 : f32
    %broadcast_in_dim3A_239 = vector.broadcast %sub3A_238 : f32 to vector<16xf32>
    %sub3A_240 = arith.constant 1.000000e+00 : f32
    %sub3A_241 = arith.subf %sub3A_240, %squeeze3A_209 : f32
    %broadcast_in_dim3A_242 = vector.broadcast %sub3A_241 : f32 to vector<16xf32>
    %sub3A_243 = arith.constant 1.000000e+00 : f32
    %sub3A_244 = arith.subf %sub3A_243, %squeeze3A_211 : f32
    %broadcast_in_dim3A_245 = vector.broadcast %sub3A_244 : f32 to vector<16xf32>
    %sub3A_246 = arith.constant 1.000000e+00 : f32
    %sub3A_247 = arith.subf %sub3A_246, %squeeze3A_213 : f32
    %broadcast_in_dim3A_248 = vector.broadcast %sub3A_247 : f32 to vector<16xf32>
    %broadcast_in_dim3A_249 = vector.broadcast %squeeze3A_191 : f32 to vector<16xf32>
    %eq3A_250 = arith.constant 0x7F800000 : f32
    %eq3A_251 = vector.broadcast %eq3A_250 : f32 to vector<16xf32>
    %eq3A_252 = arith.cmpf oeq, %broadcast_in_dim3A_249, %eq3A_251 : vector<16xf32>
    %broadcast_in_dim3A_253 = vector.broadcast %squeeze3A_193 : f32 to vector<16xf32>
    %eq3A_254 = arith.constant 0x7F800000 : f32
    %eq3A_255 = vector.broadcast %eq3A_254 : f32 to vector<16xf32>
    %eq3A_256 = arith.cmpf oeq, %broadcast_in_dim3A_253, %eq3A_255 : vector<16xf32>
    %broadcast_in_dim3A_257 = vector.broadcast %squeeze3A_195 : f32 to vector<16xf32>
    %eq3A_258 = arith.constant 0x7F800000 : f32
    %eq3A_259 = vector.broadcast %eq3A_258 : f32 to vector<16xf32>
    %eq3A_260 = arith.cmpf oeq, %broadcast_in_dim3A_257, %eq3A_259 : vector<16xf32>
    %broadcast_in_dim3A_261 = vector.broadcast %squeeze3A_197 : f32 to vector<16xf32>
    %eq3A_262 = arith.constant 0x7F800000 : f32
    %eq3A_263 = vector.broadcast %eq3A_262 : f32 to vector<16xf32>
    %eq3A_264 = arith.cmpf oeq, %broadcast_in_dim3A_261, %eq3A_263 : vector<16xf32>
    %broadcast_in_dim3A_265 = vector.broadcast %squeeze3A_199 : f32 to vector<16xf32>
    %eq3A_266 = arith.constant 0x7F800000 : f32
    %eq3A_267 = vector.broadcast %eq3A_266 : f32 to vector<16xf32>
    %eq3A_268 = arith.cmpf oeq, %broadcast_in_dim3A_265, %eq3A_267 : vector<16xf32>
    %broadcast_in_dim3A_269 = vector.broadcast %squeeze3A_201 : f32 to vector<16xf32>
    %eq3A_270 = arith.constant 0x7F800000 : f32
    %eq3A_271 = vector.broadcast %eq3A_270 : f32 to vector<16xf32>
    %eq3A_272 = arith.cmpf oeq, %broadcast_in_dim3A_269, %eq3A_271 : vector<16xf32>
    %broadcast_in_dim3A_273 = vector.broadcast %squeeze3A_203 : f32 to vector<16xf32>
    %eq3A_274 = arith.constant 0x7F800000 : f32
    %eq3A_275 = vector.broadcast %eq3A_274 : f32 to vector<16xf32>
    %eq3A_276 = arith.cmpf oeq, %broadcast_in_dim3A_273, %eq3A_275 : vector<16xf32>
    %broadcast_in_dim3A_277 = vector.broadcast %squeeze3A_205 : f32 to vector<16xf32>
    %eq3A_278 = arith.constant 0x7F800000 : f32
    %eq3A_279 = vector.broadcast %eq3A_278 : f32 to vector<16xf32>
    %eq3A_280 = arith.cmpf oeq, %broadcast_in_dim3A_277, %eq3A_279 : vector<16xf32>
    %broadcast_in_dim3A_281 = vector.broadcast %squeeze3A_207 : f32 to vector<16xf32>
    %eq3A_282 = arith.constant 0x7F800000 : f32
    %eq3A_283 = vector.broadcast %eq3A_282 : f32 to vector<16xf32>
    %eq3A_284 = arith.cmpf oeq, %broadcast_in_dim3A_281, %eq3A_283 : vector<16xf32>
    %broadcast_in_dim3A_285 = vector.broadcast %squeeze3A_209 : f32 to vector<16xf32>
    %eq3A_286 = arith.constant 0x7F800000 : f32
    %eq3A_287 = vector.broadcast %eq3A_286 : f32 to vector<16xf32>
    %eq3A_288 = arith.cmpf oeq, %broadcast_in_dim3A_285, %eq3A_287 : vector<16xf32>
    %broadcast_in_dim3A_289 = vector.broadcast %squeeze3A_211 : f32 to vector<16xf32>
    %eq3A_290 = arith.constant 0x7F800000 : f32
    %eq3A_291 = vector.broadcast %eq3A_290 : f32 to vector<16xf32>
    %eq3A_292 = arith.cmpf oeq, %broadcast_in_dim3A_289, %eq3A_291 : vector<16xf32>
    %broadcast_in_dim3A_293 = vector.broadcast %squeeze3A_213 : f32 to vector<16xf32>
    %eq3A_294 = arith.constant 0x7F800000 : f32
    %eq3A_295 = vector.broadcast %eq3A_294 : f32 to vector<16xf32>
    %eq3A_296 = arith.cmpf oeq, %broadcast_in_dim3A_293, %eq3A_295 : vector<16xf32>
    %mul3A_297 = arith.constant 12 : i32
    %mul3A_298 = vector.broadcast %mul3A_297 : i32 to vector<16xi32>
    %mul3A_299 = arith.muli %iota3A, %mul3A_298 : vector<16xi32>
    %dma_wait3A = tpu.memref_slice %arg3[%multiple_of3A] : memref<3000000xf32, #tpu.memory_space<hbm>> -> memref<93888xf32, #tpu.memory_space<hbm>>
    %dma_wait3A_300 = tpu.memref_slice %arg3[%multiple_of3A] : memref<3000000xf32, #tpu.memory_space<hbm>> -> memref<93888xf32, #tpu.memory_space<hbm>>
    tpu.wait_dma2 semaphore(%arg13 : memref<!tpu.dma_semaphore, #tpu.memory_space<semaphore_mem>>) src(%dma_wait3A_300 : memref<93888xf32, #tpu.memory_space<hbm>>) dst(%arg9 : memref<93888xf32, #tpu.memory_space<vmem>>)
    %broadcast_in_dim3A_301 = arith.constant 0x7F800000 : f32
    %broadcast_in_dim3A_302 = vector.broadcast %broadcast_in_dim3A_301 : f32 to vector<16xf32>
    %broadcast_in_dim3A_303 = arith.constant 0xFF800000 : f32
    %broadcast_in_dim3A_304 = vector.broadcast %broadcast_in_dim3A_303 : f32 to vector<16xf32>
    %broadcast_in_dim3A_305 = arith.constant 0 : i32
    %broadcast_in_dim3A_306 = vector.broadcast %broadcast_in_dim3A_305 : i32 to vector<16xi32>
    %scan3A = arith.constant 0 : i32
    %scan3A_307 = arith.constant 489 : i32
    %scan3A_308 = arith.addi %scan3A, %scan3A_307 : i32
    %scan3A_309 = arith.constant 1 : i32
    %scan3A_310:3 = scf.for %scan3A_320 = %scan3A to %scan3A_308 step %scan3A_309 iter_args(%scan3A_321 = %broadcast_in_dim3A_302, %scan3A_322 = %broadcast_in_dim3A_304, %scan3A_323 = %broadcast_in_dim3A_306) -> (vector<16xf32>, vector<16xf32>, vector<16xi32>)  : i32 {
      %mul3A_324 = arith.constant 192 : i32
      %mul3A_325 = arith.muli %scan3A_320, %mul3A_324 : i32
      %add3A_326 = arith.addi %mul3A_325, %squeeze3A_167 : i32
      %add3A_327 = vector.broadcast %add3A_326 : i32 to vector<16xi32>
      %add3A_328 = arith.addi %mul3A_299, %add3A_327 : vector<16xi32>
      %gather3A_329 = tpu.vector_load_idx %arg9[%add3A_328] : memref<93888xf32, #tpu.memory_space<vmem>>[vector<16xi32>], vector<16xf32>,
      %add3A_330 = arith.addi %mul3A_325, %squeeze3A_169 : i32
      %add3A_331 = vector.broadcast %add3A_330 : i32 to vector<16xi32>
      %add3A_332 = arith.addi %mul3A_299, %add3A_331 : vector<16xi32>
      %gather3A_333 = tpu.vector_load_idx %arg9[%add3A_332] : memref<93888xf32, #tpu.memory_space<vmem>>[vector<16xi32>], vector<16xf32>,
      %add3A_334 = arith.addi %mul3A_325, %squeeze3A_171 : i32
      %add3A_335 = vector.broadcast %add3A_334 : i32 to vector<16xi32>
      %add3A_336 = arith.addi %mul3A_299, %add3A_335 : vector<16xi32>
      %gather3A_337 = tpu.vector_load_idx %arg9[%add3A_336] : memref<93888xf32, #tpu.memory_space<vmem>>[vector<16xi32>], vector<16xf32>,
      %add3A_338 = arith.addi %mul3A_325, %squeeze3A_173 : i32
      %add3A_339 = vector.broadcast %add3A_338 : i32 to vector<16xi32>
      %add3A_340 = arith.addi %mul3A_299, %add3A_339 : vector<16xi32>
      %gather3A_341 = tpu.vector_load_idx %arg9[%add3A_340] : memref<93888xf32, #tpu.memory_space<vmem>>[vector<16xi32>], vector<16xf32>,
      %add3A_342 = arith.addi %mul3A_325, %squeeze3A_175 : i32
      %add3A_343 = vector.broadcast %add3A_342 : i32 to vector<16xi32>
      %add3A_344 = arith.addi %mul3A_299, %add3A_343 : vector<16xi32>
      %gather3A_345 = tpu.vector_load_idx %arg9[%add3A_344] : memref<93888xf32, #tpu.memory_space<vmem>>[vector<16xi32>], vector<16xf32>,
      %add3A_346 = arith.addi %mul3A_325, %squeeze3A_177 : i32
      %add3A_347 = vector.broadcast %add3A_346 : i32 to vector<16xi32>
      %add3A_348 = arith.addi %mul3A_299, %add3A_347 : vector<16xi32>
      %gather3A_349 = tpu.vector_load_idx %arg9[%add3A_348] : memref<93888xf32, #tpu.memory_space<vmem>>[vector<16xi32>], vector<16xf32>,
      %add3A_350 = arith.addi %mul3A_325, %squeeze3A_179 : i32
      %add3A_351 = vector.broadcast %add3A_350 : i32 to vector<16xi32>
      %add3A_352 = arith.addi %mul3A_299, %add3A_351 : vector<16xi32>
      %gather3A_353 = tpu.vector_load_idx %arg9[%add3A_352] : memref<93888xf32, #tpu.memory_space<vmem>>[vector<16xi32>], vector<16xf32>,
      %add3A_354 = arith.addi %mul3A_325, %squeeze3A_181 : i32
      %add3A_355 = vector.broadcast %add3A_354 : i32 to vector<16xi32>
      %add3A_356 = arith.addi %mul3A_299, %add3A_355 : vector<16xi32>
      %gather3A_357 = tpu.vector_load_idx %arg9[%add3A_356] : memref<93888xf32, #tpu.memory_space<vmem>>[vector<16xi32>], vector<16xf32>,
      %add3A_358 = arith.addi %mul3A_325, %squeeze3A_183 : i32
      %add3A_359 = vector.broadcast %add3A_358 : i32 to vector<16xi32>
      %add3A_360 = arith.addi %mul3A_299, %add3A_359 : vector<16xi32>
      %gather3A_361 = tpu.vector_load_idx %arg9[%add3A_360] : memref<93888xf32, #tpu.memory_space<vmem>>[vector<16xi32>], vector<16xf32>,
      %add3A_362 = arith.addi %mul3A_325, %squeeze3A_185 : i32
      %add3A_363 = vector.broadcast %add3A_362 : i32 to vector<16xi32>
      %add3A_364 = arith.addi %mul3A_299, %add3A_363 : vector<16xi32>
      %gather3A_365 = tpu.vector_load_idx %arg9[%add3A_364] : memref<93888xf32, #tpu.memory_space<vmem>>[vector<16xi32>], vector<16xf32>,
      %add3A_366 = arith.addi %mul3A_325, %squeeze3A_187 : i32
      %add3A_367 = vector.broadcast %add3A_366 : i32 to vector<16xi32>
      %add3A_368 = arith.addi %mul3A_299, %add3A_367 : vector<16xi32>
      %gather3A_369 = tpu.vector_load_idx %arg9[%add3A_368] : memref<93888xf32, #tpu.memory_space<vmem>>[vector<16xi32>], vector<16xf32>,
      %add3A_370 = arith.addi %mul3A_325, %squeeze3A_189 : i32
      %add3A_371 = vector.broadcast %add3A_370 : i32 to vector<16xi32>
      %add3A_372 = arith.addi %mul3A_299, %add3A_371 : vector<16xi32>
      %gather3A_373 = tpu.vector_load_idx %arg9[%add3A_372] : memref<93888xf32, #tpu.memory_space<vmem>>[vector<16xi32>], vector<16xf32>,
      %jit3A = arith.constant 0.000000e+00 : f32
      %broadcast_in_dim3A_374 = vector.broadcast %jit3A : f32 to vector<16xf32>
      %select_n3A_375 = arith.select %eq3A_252, %broadcast_in_dim3A_374, %gather3A_329 : vector<16xi1>, vector<16xf32>
      %ge3A = arith.constant 2.000000e+01 : f32
      %ge3A_376 = vector.broadcast %ge3A : f32 to vector<16xf32>
      %ge3A_377 = arith.cmpf oge, %select_n3A_375, %ge3A_376 : vector<16xf32>
      %broadcast_in_dim3A_378 = vector.broadcast %squeeze3A_191 : f32 to vector<16xf32>
      %jit3A_379 = arith.constant 0x7F800000 : f32
      %broadcast_in_dim3A_380 = vector.broadcast %jit3A_379 : f32 to vector<16xf32>
      %select_n3A_381 = arith.select %ge3A_377, %broadcast_in_dim3A_378, %broadcast_in_dim3A_380 : vector<16xi1>, vector<16xf32>
      %jit3A_382 = arith.constant 0.000000e+00 : f32
      %broadcast_in_dim3A_383 = vector.broadcast %jit3A_382 : f32 to vector<16xf32>
      %select_n3A_384 = arith.select %ge3A_377, %select_n3A_375, %broadcast_in_dim3A_383 : vector<16xi1>, vector<16xf32>
      %jit3A_385 = arith.constant 0.000000e+00 : f32
      %broadcast_in_dim3A_386 = vector.broadcast %jit3A_385 : f32 to vector<16xf32>
      %select_n3A_387 = arith.select %eq3A_256, %broadcast_in_dim3A_386, %gather3A_333 : vector<16xi1>, vector<16xf32>
      %add3A_388 = arith.addf %select_n3A_375, %select_n3A_387 : vector<16xf32>
      %ge3A_389 = arith.constant 2.000000e+01 : f32
      %ge3A_390 = vector.broadcast %ge3A_389 : f32 to vector<16xf32>
      %ge3A_391 = arith.cmpf oge, %add3A_388, %ge3A_390 : vector<16xf32>
      %not3A = arith.constant dense<true> : vector<16xi1>
      %not3A_392 = arith.xori %ge3A_377, %not3A : vector<16xi1>
      %and3A_393 = arith.andi %ge3A_391, %not3A_392 : vector<16xi1>
      %broadcast_in_dim3A_394 = vector.broadcast %squeeze3A_193 : f32 to vector<16xf32>
      %select_n3A_395 = arith.select %and3A_393, %broadcast_in_dim3A_394, %select_n3A_381 : vector<16xi1>, vector<16xf32>
      %select_n3A_396 = arith.select %and3A_393, %add3A_388, %select_n3A_384 : vector<16xi1>, vector<16xf32>
      %or3A = arith.ori %ge3A_377, %and3A_393 : vector<16xi1>
      %jit3A_397 = arith.constant 0.000000e+00 : f32
      %broadcast_in_dim3A_398 = vector.broadcast %jit3A_397 : f32 to vector<16xf32>
      %select_n3A_399 = arith.select %eq3A_260, %broadcast_in_dim3A_398, %gather3A_337 : vector<16xi1>, vector<16xf32>
      %add3A_400 = arith.addf %add3A_388, %select_n3A_399 : vector<16xf32>
      %ge3A_401 = arith.constant 2.000000e+01 : f32
      %ge3A_402 = vector.broadcast %ge3A_401 : f32 to vector<16xf32>
      %ge3A_403 = arith.cmpf oge, %add3A_400, %ge3A_402 : vector<16xf32>
      %not3A_404 = arith.constant dense<true> : vector<16xi1>
      %not3A_405 = arith.xori %or3A, %not3A_404 : vector<16xi1>
      %and3A_406 = arith.andi %ge3A_403, %not3A_405 : vector<16xi1>
      %broadcast_in_dim3A_407 = vector.broadcast %squeeze3A_195 : f32 to vector<16xf32>
      %select_n3A_408 = arith.select %and3A_406, %broadcast_in_dim3A_407, %select_n3A_395 : vector<16xi1>, vector<16xf32>
      %select_n3A_409 = arith.select %and3A_406, %add3A_400, %select_n3A_396 : vector<16xi1>, vector<16xf32>
      %or3A_410 = arith.ori %or3A, %and3A_406 : vector<16xi1>
      %jit3A_411 = arith.constant 0.000000e+00 : f32
      %broadcast_in_dim3A_412 = vector.broadcast %jit3A_411 : f32 to vector<16xf32>
      %select_n3A_413 = arith.select %eq3A_264, %broadcast_in_dim3A_412, %gather3A_341 : vector<16xi1>, vector<16xf32>
      %add3A_414 = arith.addf %add3A_400, %select_n3A_413 : vector<16xf32>
      %ge3A_415 = arith.constant 2.000000e+01 : f32
      %ge3A_416 = vector.broadcast %ge3A_415 : f32 to vector<16xf32>
      %ge3A_417 = arith.cmpf oge, %add3A_414, %ge3A_416 : vector<16xf32>
      %not3A_418 = arith.constant dense<true> : vector<16xi1>
      %not3A_419 = arith.xori %or3A_410, %not3A_418 : vector<16xi1>
      %and3A_420 = arith.andi %ge3A_417, %not3A_419 : vector<16xi1>
      %broadcast_in_dim3A_421 = vector.broadcast %squeeze3A_197 : f32 to vector<16xf32>
      %select_n3A_422 = arith.select %and3A_420, %broadcast_in_dim3A_421, %select_n3A_408 : vector<16xi1>, vector<16xf32>
      %select_n3A_423 = arith.select %and3A_420, %add3A_414, %select_n3A_409 : vector<16xi1>, vector<16xf32>
      %or3A_424 = arith.ori %or3A_410, %and3A_420 : vector<16xi1>
      %jit3A_425 = arith.constant 0.000000e+00 : f32
      %broadcast_in_dim3A_426 = vector.broadcast %jit3A_425 : f32 to vector<16xf32>
      %select_n3A_427 = arith.select %eq3A_268, %broadcast_in_dim3A_426, %gather3A_345 : vector<16xi1>, vector<16xf32>
      %add3A_428 = arith.addf %add3A_414, %select_n3A_427 : vector<16xf32>
      %ge3A_429 = arith.constant 2.000000e+01 : f32
      %ge3A_430 = vector.broadcast %ge3A_429 : f32 to vector<16xf32>
      %ge3A_431 = arith.cmpf oge, %add3A_428, %ge3A_430 : vector<16xf32>
      %not3A_432 = arith.constant dense<true> : vector<16xi1>
      %not3A_433 = arith.xori %or3A_424, %not3A_432 : vector<16xi1>
      %and3A_434 = arith.andi %ge3A_431, %not3A_433 : vector<16xi1>
      %broadcast_in_dim3A_435 = vector.broadcast %squeeze3A_199 : f32 to vector<16xf32>
      %select_n3A_436 = arith.select %and3A_434, %broadcast_in_dim3A_435, %select_n3A_422 : vector<16xi1>, vector<16xf32>
      %select_n3A_437 = arith.select %and3A_434, %add3A_428, %select_n3A_423 : vector<16xi1>, vector<16xf32>
      %or3A_438 = arith.ori %or3A_424, %and3A_434 : vector<16xi1>
      %jit3A_439 = arith.constant 0.000000e+00 : f32
      %broadcast_in_dim3A_440 = vector.broadcast %jit3A_439 : f32 to vector<16xf32>
      %select_n3A_441 = arith.select %eq3A_272, %broadcast_in_dim3A_440, %gather3A_349 : vector<16xi1>, vector<16xf32>
      %add3A_442 = arith.addf %add3A_428, %select_n3A_441 : vector<16xf32>
      %ge3A_443 = arith.constant 2.000000e+01 : f32
      %ge3A_444 = vector.broadcast %ge3A_443 : f32 to vector<16xf32>
      %ge3A_445 = arith.cmpf oge, %add3A_442, %ge3A_444 : vector<16xf32>
      %not3A_446 = arith.constant dense<true> : vector<16xi1>
      %not3A_447 = arith.xori %or3A_438, %not3A_446 : vector<16xi1>
      %and3A_448 = arith.andi %ge3A_445, %not3A_447 : vector<16xi1>
      %broadcast_in_dim3A_449 = vector.broadcast %squeeze3A_201 : f32 to vector<16xf32>
      %select_n3A_450 = arith.select %and3A_448, %broadcast_in_dim3A_449, %select_n3A_436 : vector<16xi1>, vector<16xf32>
      %select_n3A_451 = arith.select %and3A_448, %add3A_442, %select_n3A_437 : vector<16xi1>, vector<16xf32>
      %or3A_452 = arith.ori %or3A_438, %and3A_448 : vector<16xi1>
      %jit3A_453 = arith.constant 0.000000e+00 : f32
      %broadcast_in_dim3A_454 = vector.broadcast %jit3A_453 : f32 to vector<16xf32>
      %select_n3A_455 = arith.select %eq3A_276, %broadcast_in_dim3A_454, %gather3A_353 : vector<16xi1>, vector<16xf32>
      %add3A_456 = arith.addf %add3A_442, %select_n3A_455 : vector<16xf32>
      %ge3A_457 = arith.constant 2.000000e+01 : f32
      %ge3A_458 = vector.broadcast %ge3A_457 : f32 to vector<16xf32>
      %ge3A_459 = arith.cmpf oge, %add3A_456, %ge3A_458 : vector<16xf32>
      %not3A_460 = arith.constant dense<true> : vector<16xi1>
      %not3A_461 = arith.xori %or3A_452, %not3A_460 : vector<16xi1>
      %and3A_462 = arith.andi %ge3A_459, %not3A_461 : vector<16xi1>
      %broadcast_in_dim3A_463 = vector.broadcast %squeeze3A_203 : f32 to vector<16xf32>
      %select_n3A_464 = arith.select %and3A_462, %broadcast_in_dim3A_463, %select_n3A_450 : vector<16xi1>, vector<16xf32>
      %select_n3A_465 = arith.select %and3A_462, %add3A_456, %select_n3A_451 : vector<16xi1>, vector<16xf32>
      %or3A_466 = arith.ori %or3A_452, %and3A_462 : vector<16xi1>
      %jit3A_467 = arith.constant 0.000000e+00 : f32
      %broadcast_in_dim3A_468 = vector.broadcast %jit3A_467 : f32 to vector<16xf32>
      %select_n3A_469 = arith.select %eq3A_280, %broadcast_in_dim3A_468, %gather3A_357 : vector<16xi1>, vector<16xf32>
      %add3A_470 = arith.addf %add3A_456, %select_n3A_469 : vector<16xf32>
      %ge3A_471 = arith.constant 2.000000e+01 : f32
      %ge3A_472 = vector.broadcast %ge3A_471 : f32 to vector<16xf32>
      %ge3A_473 = arith.cmpf oge, %add3A_470, %ge3A_472 : vector<16xf32>
      %not3A_474 = arith.constant dense<true> : vector<16xi1>
      %not3A_475 = arith.xori %or3A_466, %not3A_474 : vector<16xi1>
      %and3A_476 = arith.andi %ge3A_473, %not3A_475 : vector<16xi1>
      %broadcast_in_dim3A_477 = vector.broadcast %squeeze3A_205 : f32 to vector<16xf32>
      %select_n3A_478 = arith.select %and3A_476, %broadcast_in_dim3A_477, %select_n3A_464 : vector<16xi1>, vector<16xf32>
      %select_n3A_479 = arith.select %and3A_476, %add3A_470, %select_n3A_465 : vector<16xi1>, vector<16xf32>
      %or3A_480 = arith.ori %or3A_466, %and3A_476 : vector<16xi1>
      %jit3A_481 = arith.constant 0.000000e+00 : f32
      %broadcast_in_dim3A_482 = vector.broadcast %jit3A_481 : f32 to vector<16xf32>
      %select_n3A_483 = arith.select %eq3A_284, %broadcast_in_dim3A_482, %gather3A_361 : vector<16xi1>, vector<16xf32>
      %add3A_484 = arith.addf %add3A_470, %select_n3A_483 : vector<16xf32>
      %ge3A_485 = arith.constant 2.000000e+01 : f32
      %ge3A_486 = vector.broadcast %ge3A_485 : f32 to vector<16xf32>
      %ge3A_487 = arith.cmpf oge, %add3A_484, %ge3A_486 : vector<16xf32>
      %not3A_488 = arith.constant dense<true> : vector<16xi1>
      %not3A_489 = arith.xori %or3A_480, %not3A_488 : vector<16xi1>
      %and3A_490 = arith.andi %ge3A_487, %not3A_489 : vector<16xi1>
      %broadcast_in_dim3A_491 = vector.broadcast %squeeze3A_207 : f32 to vector<16xf32>
      %select_n3A_492 = arith.select %and3A_490, %broadcast_in_dim3A_491, %select_n3A_478 : vector<16xi1>, vector<16xf32>
      %select_n3A_493 = arith.select %and3A_490, %add3A_484, %select_n3A_479 : vector<16xi1>, vector<16xf32>
      %or3A_494 = arith.ori %or3A_480, %and3A_490 : vector<16xi1>
      %jit3A_495 = arith.constant 0.000000e+00 : f32
      %broadcast_in_dim3A_496 = vector.broadcast %jit3A_495 : f32 to vector<16xf32>
      %select_n3A_497 = arith.select %eq3A_288, %broadcast_in_dim3A_496, %gather3A_365 : vector<16xi1>, vector<16xf32>
      %add3A_498 = arith.addf %add3A_484, %select_n3A_497 : vector<16xf32>
      %ge3A_499 = arith.constant 2.000000e+01 : f32
      %ge3A_500 = vector.broadcast %ge3A_499 : f32 to vector<16xf32>
      %ge3A_501 = arith.cmpf oge, %add3A_498, %ge3A_500 : vector<16xf32>
      %not3A_502 = arith.constant dense<true> : vector<16xi1>
      %not3A_503 = arith.xori %or3A_494, %not3A_502 : vector<16xi1>
      %and3A_504 = arith.andi %ge3A_501, %not3A_503 : vector<16xi1>
      %broadcast_in_dim3A_505 = vector.broadcast %squeeze3A_209 : f32 to vector<16xf32>
      %select_n3A_506 = arith.select %and3A_504, %broadcast_in_dim3A_505, %select_n3A_492 : vector<16xi1>, vector<16xf32>
      %select_n3A_507 = arith.select %and3A_504, %add3A_498, %select_n3A_493 : vector<16xi1>, vector<16xf32>
      %or3A_508 = arith.ori %or3A_494, %and3A_504 : vector<16xi1>
      %jit3A_509 = arith.constant 0.000000e+00 : f32
      %broadcast_in_dim3A_510 = vector.broadcast %jit3A_509 : f32 to vector<16xf32>
      %select_n3A_511 = arith.select %eq3A_292, %broadcast_in_dim3A_510, %gather3A_369 : vector<16xi1>, vector<16xf32>
      %add3A_512 = arith.addf %add3A_498, %select_n3A_511 : vector<16xf32>
      %ge3A_513 = arith.constant 2.000000e+01 : f32
      %ge3A_514 = vector.broadcast %ge3A_513 : f32 to vector<16xf32>
      %ge3A_515 = arith.cmpf oge, %add3A_512, %ge3A_514 : vector<16xf32>
      %not3A_516 = arith.constant dense<true> : vector<16xi1>
      %not3A_517 = arith.xori %or3A_508, %not3A_516 : vector<16xi1>
      %and3A_518 = arith.andi %ge3A_515, %not3A_517 : vector<16xi1>
      %broadcast_in_dim3A_519 = vector.broadcast %squeeze3A_211 : f32 to vector<16xf32>
      %select_n3A_520 = arith.select %and3A_518, %broadcast_in_dim3A_519, %select_n3A_506 : vector<16xi1>, vector<16xf32>
      %select_n3A_521 = arith.select %and3A_518, %add3A_512, %select_n3A_507 : vector<16xi1>, vector<16xf32>
      %or3A_522 = arith.ori %or3A_508, %and3A_518 : vector<16xi1>
      %jit3A_523 = arith.constant 0.000000e+00 : f32
      %broadcast_in_dim3A_524 = vector.broadcast %jit3A_523 : f32 to vector<16xf32>
      %select_n3A_525 = arith.select %eq3A_296, %broadcast_in_dim3A_524, %gather3A_373 : vector<16xi1>, vector<16xf32>
      %add3A_526 = arith.addf %add3A_512, %select_n3A_525 : vector<16xf32>
      %ge3A_527 = arith.constant 2.000000e+01 : f32
      %ge3A_528 = vector.broadcast %ge3A_527 : f32 to vector<16xf32>
      %ge3A_529 = arith.cmpf oge, %add3A_526, %ge3A_528 : vector<16xf32>
      %not3A_530 = arith.constant dense<true> : vector<16xi1>
      %not3A_531 = arith.xori %or3A_522, %not3A_530 : vector<16xi1>
      %and3A_532 = arith.andi %ge3A_529, %not3A_531 : vector<16xi1>
      %broadcast_in_dim3A_533 = vector.broadcast %squeeze3A_213 : f32 to vector<16xf32>
      %select_n3A_534 = arith.select %and3A_532, %broadcast_in_dim3A_533, %select_n3A_520 : vector<16xi1>, vector<16xf32>
      %select_n3A_535 = arith.select %and3A_532, %add3A_526, %select_n3A_521 : vector<16xi1>, vector<16xf32>
      %or3A_536 = arith.ori %or3A_522, %and3A_532 : vector<16xi1>
      %add3A_537 = arith.addf %select_n3A_534, %broadcast_in_dim3A_215 : vector<16xf32>
      %add3A_538 = arith.addf %select_n3A_534, %broadcast_in_dim3A_218 : vector<16xf32>
      %add3A_539 = arith.addf %select_n3A_534, %broadcast_in_dim3A_221 : vector<16xf32>
      %add3A_540 = arith.addf %select_n3A_534, %broadcast_in_dim3A_224 : vector<16xf32>
      %add3A_541 = arith.addf %select_n3A_534, %broadcast_in_dim3A_227 : vector<16xf32>
      %add3A_542 = arith.addf %select_n3A_534, %broadcast_in_dim3A_230 : vector<16xf32>
      %add3A_543 = arith.addf %select_n3A_534, %broadcast_in_dim3A_233 : vector<16xf32>
      %add3A_544 = arith.addf %select_n3A_534, %broadcast_in_dim3A_236 : vector<16xf32>
      %add3A_545 = arith.addf %select_n3A_534, %broadcast_in_dim3A_239 : vector<16xf32>
      %add3A_546 = arith.addf %select_n3A_534, %broadcast_in_dim3A_242 : vector<16xf32>
      %add3A_547 = arith.addf %select_n3A_534, %broadcast_in_dim3A_245 : vector<16xf32>
      %add3A_548 = arith.addf %select_n3A_534, %broadcast_in_dim3A_248 : vector<16xf32>
      %broadcast_in_dim3A_549 = arith.constant 0 : i32
      %broadcast_in_dim3A_550 = vector.broadcast %broadcast_in_dim3A_549 : i32 to vector<16xi32>
      %broadcast_in_dim3A_551 = arith.constant 7 : i32
      %broadcast_in_dim3A_552 = vector.broadcast %broadcast_in_dim3A_551 : i32 to vector<16xi32>
      %add3A_553 = arith.addi %broadcast_in_dim3A_550, %broadcast_in_dim3A_552 : vector<16xi32>
      %shift_right_arithmetic3A = arith.constant 1 : i32
      %shift_right_arithmetic3A_554 = vector.broadcast %shift_right_arithmetic3A : i32 to vector<16xi32>
      %shift_right_arithmetic3A_555 = arith.shrsi %add3A_553, %shift_right_arithmetic3A_554 : vector<16xi32>
      %convert_element_type3A = arith.sitofp %shift_right_arithmetic3A_555 : vector<16xi32> to vector<16xf32>
      %add3A_556 = arith.addf %add3A_537, %convert_element_type3A : vector<16xf32>
      %min3A_557 = arith.minimumf %add3A_556, %gather3A_329 : vector<16xf32>
      %max3A = arith.constant 0.000000e+00 : f32
      %max3A_558 = vector.broadcast %max3A : f32 to vector<16xf32>
      %max3A_559 = arith.maximumf %min3A_557, %max3A_558 : vector<16xf32>
      %add3A_560 = arith.addf %add3A_538, %convert_element_type3A : vector<16xf32>
      %min3A_561 = arith.minimumf %add3A_560, %gather3A_333 : vector<16xf32>
      %max3A_562 = arith.constant 0.000000e+00 : f32
      %max3A_563 = vector.broadcast %max3A_562 : f32 to vector<16xf32>
      %max3A_564 = arith.maximumf %min3A_561, %max3A_563 : vector<16xf32>
      %add3A_565 = arith.addf %add3A_539, %convert_element_type3A : vector<16xf32>
      %min3A_566 = arith.minimumf %add3A_565, %gather3A_337 : vector<16xf32>
      %max3A_567 = arith.constant 0.000000e+00 : f32
      %max3A_568 = vector.broadcast %max3A_567 : f32 to vector<16xf32>
      %max3A_569 = arith.maximumf %min3A_566, %max3A_568 : vector<16xf32>
      %add3A_570 = arith.addf %add3A_540, %convert_element_type3A : vector<16xf32>
      %min3A_571 = arith.minimumf %add3A_570, %gather3A_341 : vector<16xf32>
      %max3A_572 = arith.constant 0.000000e+00 : f32
      %max3A_573 = vector.broadcast %max3A_572 : f32 to vector<16xf32>
      %max3A_574 = arith.maximumf %min3A_571, %max3A_573 : vector<16xf32>
      %add3A_575 = arith.addf %max3A_559, %max3A_574 : vector<16xf32>
      %add3A_576 = arith.addf %add3A_541, %convert_element_type3A : vector<16xf32>
      %min3A_577 = arith.minimumf %add3A_576, %gather3A_345 : vector<16xf32>
      %max3A_578 = arith.constant 0.000000e+00 : f32
      %max3A_579 = vector.broadcast %max3A_578 : f32 to vector<16xf32>
      %max3A_580 = arith.maximumf %min3A_577, %max3A_579 : vector<16xf32>
      %add3A_581 = arith.addf %max3A_564, %max3A_580 : vector<16xf32>
      %add3A_582 = arith.addf %add3A_542, %convert_element_type3A : vector<16xf32>
      %min3A_583 = arith.minimumf %add3A_582, %gather3A_349 : vector<16xf32>
      %max3A_584 = arith.constant 0.000000e+00 : f32
      %max3A_585 = vector.broadcast %max3A_584 : f32 to vector<16xf32>
      %max3A_586 = arith.maximumf %min3A_583, %max3A_585 : vector<16xf32>
      %add3A_587 = arith.addf %max3A_569, %max3A_586 : vector<16xf32>
      %add3A_588 = arith.addf %add3A_543, %convert_element_type3A : vector<16xf32>
      %min3A_589 = arith.minimumf %add3A_588, %gather3A_353 : vector<16xf32>
      %max3A_590 = arith.constant 0.000000e+00 : f32
      %max3A_591 = vector.broadcast %max3A_590 : f32 to vector<16xf32>
      %max3A_592 = arith.maximumf %min3A_589, %max3A_591 : vector<16xf32>
      %add3A_593 = arith.addf %add3A_575, %max3A_592 : vector<16xf32>
      %add3A_594 = arith.addf %add3A_544, %convert_element_type3A : vector<16xf32>
      %min3A_595 = arith.minimumf %add3A_594, %gather3A_357 : vector<16xf32>
      %max3A_596 = arith.constant 0.000000e+00 : f32
      %max3A_597 = vector.broadcast %max3A_596 : f32 to vector<16xf32>
      %max3A_598 = arith.maximumf %min3A_595, %max3A_597 : vector<16xf32>
      %add3A_599 = arith.addf %add3A_581, %max3A_598 : vector<16xf32>
      %add3A_600 = arith.addf %add3A_545, %convert_element_type3A : vector<16xf32>
      %min3A_601 = arith.minimumf %add3A_600, %gather3A_361 : vector<16xf32>
      %max3A_602 = arith.constant 0.000000e+00 : f32
      %max3A_603 = vector.broadcast %max3A_602 : f32 to vector<16xf32>
      %max3A_604 = arith.maximumf %min3A_601, %max3A_603 : vector<16xf32>
      %add3A_605 = arith.addf %add3A_587, %max3A_604 : vector<16xf32>
      %add3A_606 = arith.addf %add3A_546, %convert_element_type3A : vector<16xf32>
      %min3A_607 = arith.minimumf %add3A_606, %gather3A_365 : vector<16xf32>
      %max3A_608 = arith.constant 0.000000e+00 : f32
      %max3A_609 = vector.broadcast %max3A_608 : f32 to vector<16xf32>
      %max3A_610 = arith.maximumf %min3A_607, %max3A_609 : vector<16xf32>
      %add3A_611 = arith.addf %add3A_593, %max3A_610 : vector<16xf32>
      %add3A_612 = arith.addf %add3A_547, %convert_element_type3A : vector<16xf32>
      %min3A_613 = arith.minimumf %add3A_612, %gather3A_369 : vector<16xf32>
      %max3A_614 = arith.constant 0.000000e+00 : f32
      %max3A_615 = vector.broadcast %max3A_614 : f32 to vector<16xf32>
      %max3A_616 = arith.maximumf %min3A_613, %max3A_615 : vector<16xf32>
      %add3A_617 = arith.addf %add3A_599, %max3A_616 : vector<16xf32>
      %add3A_618 = arith.addf %add3A_548, %convert_element_type3A : vector<16xf32>
      %min3A_619 = arith.minimumf %add3A_618, %gather3A_373 : vector<16xf32>
      %max3A_620 = arith.constant 0.000000e+00 : f32
      %max3A_621 = vector.broadcast %max3A_620 : f32 to vector<16xf32>
      %max3A_622 = arith.maximumf %min3A_619, %max3A_621 : vector<16xf32>
      %add3A_623 = arith.addf %add3A_605, %max3A_622 : vector<16xf32>
      %add3A_624 = arith.addf %add3A_611, %add3A_617 : vector<16xf32>
      %add3A_625 = arith.addf %add3A_624, %add3A_623 : vector<16xf32>
      %ge3A_626 = arith.constant 2.000000e+01 : f32
      %ge3A_627 = vector.broadcast %ge3A_626 : f32 to vector<16xf32>
      %ge3A_628 = arith.cmpf oge, %add3A_625, %ge3A_627 : vector<16xf32>
      %select_n3A_629 = arith.select %ge3A_628, %shift_right_arithmetic3A_555, %broadcast_in_dim3A_552 : vector<16xi1>, vector<16xi32>
      %add3A_630 = arith.constant 1 : i32
      %add3A_631 = vector.broadcast %add3A_630 : i32 to vector<16xi32>
      %add3A_632 = arith.addi %shift_right_arithmetic3A_555, %add3A_631 : vector<16xi32>
      %select_n3A_633 = arith.select %ge3A_628, %broadcast_in_dim3A_550, %add3A_632 : vector<16xi1>, vector<16xi32>
      %add3A_634 = arith.addi %select_n3A_633, %select_n3A_629 : vector<16xi32>
      %shift_right_arithmetic3A_635 = arith.constant 1 : i32
      %shift_right_arithmetic3A_636 = vector.broadcast %shift_right_arithmetic3A_635 : i32 to vector<16xi32>
      %shift_right_arithmetic3A_637 = arith.shrsi %add3A_634, %shift_right_arithmetic3A_636 : vector<16xi32>
      %convert_element_type3A_638 = arith.sitofp %shift_right_arithmetic3A_637 : vector<16xi32> to vector<16xf32>
      %add3A_639 = arith.addf %add3A_537, %convert_element_type3A_638 : vector<16xf32>
      %min3A_640 = arith.minimumf %add3A_639, %gather3A_329 : vector<16xf32>
      %max3A_641 = arith.constant 0.000000e+00 : f32
      %max3A_642 = vector.broadcast %max3A_641 : f32 to vector<16xf32>
      %max3A_643 = arith.maximumf %min3A_640, %max3A_642 : vector<16xf32>
      %add3A_644 = arith.addf %add3A_538, %convert_element_type3A_638 : vector<16xf32>
      %min3A_645 = arith.minimumf %add3A_644, %gather3A_333 : vector<16xf32>
      %max3A_646 = arith.constant 0.000000e+00 : f32
      %max3A_647 = vector.broadcast %max3A_646 : f32 to vector<16xf32>
      %max3A_648 = arith.maximumf %min3A_645, %max3A_647 : vector<16xf32>
      %add3A_649 = arith.addf %add3A_539, %convert_element_type3A_638 : vector<16xf32>
      %min3A_650 = arith.minimumf %add3A_649, %gather3A_337 : vector<16xf32>
      %max3A_651 = arith.constant 0.000000e+00 : f32
      %max3A_652 = vector.broadcast %max3A_651 : f32 to vector<16xf32>
      %max3A_653 = arith.maximumf %min3A_650, %max3A_652 : vector<16xf32>
      %add3A_654 = arith.addf %add3A_540, %convert_element_type3A_638 : vector<16xf32>
      %min3A_655 = arith.minimumf %add3A_654, %gather3A_341 : vector<16xf32>
      %max3A_656 = arith.constant 0.000000e+00 : f32
      %max3A_657 = vector.broadcast %max3A_656 : f32 to vector<16xf32>
      %max3A_658 = arith.maximumf %min3A_655, %max3A_657 : vector<16xf32>
      %add3A_659 = arith.addf %max3A_643, %max3A_658 : vector<16xf32>
      %add3A_660 = arith.addf %add3A_541, %convert_element_type3A_638 : vector<16xf32>
      %min3A_661 = arith.minimumf %add3A_660, %gather3A_345 : vector<16xf32>
      %max3A_662 = arith.constant 0.000000e+00 : f32
      %max3A_663 = vector.broadcast %max3A_662 : f32 to vector<16xf32>
      %max3A_664 = arith.maximumf %min3A_661, %max3A_663 : vector<16xf32>
      %add3A_665 = arith.addf %max3A_648, %max3A_664 : vector<16xf32>
      %add3A_666 = arith.addf %add3A_542, %convert_element_type3A_638 : vector<16xf32>
      %min3A_667 = arith.minimumf %add3A_666, %gather3A_349 : vector<16xf32>
      %max3A_668 = arith.constant 0.000000e+00 : f32
      %max3A_669 = vector.broadcast %max3A_668 : f32 to vector<16xf32>
      %max3A_670 = arith.maximumf %min3A_667, %max3A_669 : vector<16xf32>
      %add3A_671 = arith.addf %max3A_653, %max3A_670 : vector<16xf32>
      %add3A_672 = arith.addf %add3A_543, %convert_element_type3A_638 : vector<16xf32>
      %min3A_673 = arith.minimumf %add3A_672, %gather3A_353 : vector<16xf32>
      %max3A_674 = arith.constant 0.000000e+00 : f32
      %max3A_675 = vector.broadcast %max3A_674 : f32 to vector<16xf32>
      %max3A_676 = arith.maximumf %min3A_673, %max3A_675 : vector<16xf32>
      %add3A_677 = arith.addf %add3A_659, %max3A_676 : vector<16xf32>
      %add3A_678 = arith.addf %add3A_544, %convert_element_type3A_638 : vector<16xf32>
      %min3A_679 = arith.minimumf %add3A_678, %gather3A_357 : vector<16xf32>
      %max3A_680 = arith.constant 0.000000e+00 : f32
      %max3A_681 = vector.broadcast %max3A_680 : f32 to vector<16xf32>
      %max3A_682 = arith.maximumf %min3A_679, %max3A_681 : vector<16xf32>
      %add3A_683 = arith.addf %add3A_665, %max3A_682 : vector<16xf32>
      %add3A_684 = arith.addf %add3A_545, %convert_element_type3A_638 : vector<16xf32>
      %min3A_685 = arith.minimumf %add3A_684, %gather3A_361 : vector<16xf32>
      %max3A_686 = arith.constant 0.000000e+00 : f32
      %max3A_687 = vector.broadcast %max3A_686 : f32 to vector<16xf32>
      %max3A_688 = arith.maximumf %min3A_685, %max3A_687 : vector<16xf32>
      %add3A_689 = arith.addf %add3A_671, %max3A_688 : vector<16xf32>
      %add3A_690 = arith.addf %add3A_546, %convert_element_type3A_638 : vector<16xf32>
      %min3A_691 = arith.minimumf %add3A_690, %gather3A_365 : vector<16xf32>
      %max3A_692 = arith.constant 0.000000e+00 : f32
      %max3A_693 = vector.broadcast %max3A_692 : f32 to vector<16xf32>
      %max3A_694 = arith.maximumf %min3A_691, %max3A_693 : vector<16xf32>
      %add3A_695 = arith.addf %add3A_677, %max3A_694 : vector<16xf32>
      %add3A_696 = arith.addf %add3A_547, %convert_element_type3A_638 : vector<16xf32>
      %min3A_697 = arith.minimumf %add3A_696, %gather3A_369 : vector<16xf32>
      %max3A_698 = arith.constant 0.000000e+00 : f32
      %max3A_699 = vector.broadcast %max3A_698 : f32 to vector<16xf32>
      %max3A_700 = arith.maximumf %min3A_697, %max3A_699 : vector<16xf32>
      %add3A_701 = arith.addf %add3A_683, %max3A_700 : vector<16xf32>
      %add3A_702 = arith.addf %add3A_548, %convert_element_type3A_638 : vector<16xf32>
      %min3A_703 = arith.minimumf %add3A_702, %gather3A_373 : vector<16xf32>
      %max3A_704 = arith.constant 0.000000e+00 : f32
      %max3A_705 = vector.broadcast %max3A_704 : f32 to vector<16xf32>
      %max3A_706 = arith.maximumf %min3A_703, %max3A_705 : vector<16xf32>
      %add3A_707 = arith.addf %add3A_689, %max3A_706 : vector<16xf32>
      %add3A_708 = arith.addf %add3A_695, %add3A_701 : vector<16xf32>
      %add3A_709 = arith.addf %add3A_708, %add3A_707 : vector<16xf32>
      %ge3A_710 = arith.constant 2.000000e+01 : f32
      %ge3A_711 = vector.broadcast %ge3A_710 : f32 to vector<16xf32>
      %ge3A_712 = arith.cmpf oge, %add3A_709, %ge3A_711 : vector<16xf32>
      %select_n3A_713 = arith.select %ge3A_712, %shift_right_arithmetic3A_637, %select_n3A_629 : vector<16xi1>, vector<16xi32>
      %add3A_714 = arith.constant 1 : i32
      %add3A_715 = vector.broadcast %add3A_714 : i32 to vector<16xi32>
      %add3A_716 = arith.addi %shift_right_arithmetic3A_637, %add3A_715 : vector<16xi32>
      %select_n3A_717 = arith.select %ge3A_712, %select_n3A_633, %add3A_716 : vector<16xi1>, vector<16xi32>
      %add3A_718 = arith.addi %select_n3A_717, %select_n3A_713 : vector<16xi32>
      %shift_right_arithmetic3A_719 = arith.constant 1 : i32
      %shift_right_arithmetic3A_720 = vector.broadcast %shift_right_arithmetic3A_719 : i32 to vector<16xi32>
      %shift_right_arithmetic3A_721 = arith.shrsi %add3A_718, %shift_right_arithmetic3A_720 : vector<16xi32>
      %convert_element_type3A_722 = arith.sitofp %shift_right_arithmetic3A_721 : vector<16xi32> to vector<16xf32>
      %add3A_723 = arith.addf %add3A_537, %convert_element_type3A_722 : vector<16xf32>
      %min3A_724 = arith.minimumf %add3A_723, %gather3A_329 : vector<16xf32>
      %max3A_725 = arith.constant 0.000000e+00 : f32
      %max3A_726 = vector.broadcast %max3A_725 : f32 to vector<16xf32>
      %max3A_727 = arith.maximumf %min3A_724, %max3A_726 : vector<16xf32>
      %add3A_728 = arith.addf %add3A_538, %convert_element_type3A_722 : vector<16xf32>
      %min3A_729 = arith.minimumf %add3A_728, %gather3A_333 : vector<16xf32>
      %max3A_730 = arith.constant 0.000000e+00 : f32
      %max3A_731 = vector.broadcast %max3A_730 : f32 to vector<16xf32>
      %max3A_732 = arith.maximumf %min3A_729, %max3A_731 : vector<16xf32>
      %add3A_733 = arith.addf %add3A_539, %convert_element_type3A_722 : vector<16xf32>
      %min3A_734 = arith.minimumf %add3A_733, %gather3A_337 : vector<16xf32>
      %max3A_735 = arith.constant 0.000000e+00 : f32
      %max3A_736 = vector.broadcast %max3A_735 : f32 to vector<16xf32>
      %max3A_737 = arith.maximumf %min3A_734, %max3A_736 : vector<16xf32>
      %add3A_738 = arith.addf %add3A_540, %convert_element_type3A_722 : vector<16xf32>
      %min3A_739 = arith.minimumf %add3A_738, %gather3A_341 : vector<16xf32>
      %max3A_740 = arith.constant 0.000000e+00 : f32
      %max3A_741 = vector.broadcast %max3A_740 : f32 to vector<16xf32>
      %max3A_742 = arith.maximumf %min3A_739, %max3A_741 : vector<16xf32>
      %add3A_743 = arith.addf %max3A_727, %max3A_742 : vector<16xf32>
      %add3A_744 = arith.addf %add3A_541, %convert_element_type3A_722 : vector<16xf32>
      %min3A_745 = arith.minimumf %add3A_744, %gather3A_345 : vector<16xf32>
      %max3A_746 = arith.constant 0.000000e+00 : f32
      %max3A_747 = vector.broadcast %max3A_746 : f32 to vector<16xf32>
      %max3A_748 = arith.maximumf %min3A_745, %max3A_747 : vector<16xf32>
      %add3A_749 = arith.addf %max3A_732, %max3A_748 : vector<16xf32>
      %add3A_750 = arith.addf %add3A_542, %convert_element_type3A_722 : vector<16xf32>
      %min3A_751 = arith.minimumf %add3A_750, %gather3A_349 : vector<16xf32>
      %max3A_752 = arith.constant 0.000000e+00 : f32
      %max3A_753 = vector.broadcast %max3A_752 : f32 to vector<16xf32>
      %max3A_754 = arith.maximumf %min3A_751, %max3A_753 : vector<16xf32>
      %add3A_755 = arith.addf %max3A_737, %max3A_754 : vector<16xf32>
      %add3A_756 = arith.addf %add3A_543, %convert_element_type3A_722 : vector<16xf32>
      %min3A_757 = arith.minimumf %add3A_756, %gather3A_353 : vector<16xf32>
      %max3A_758 = arith.constant 0.000000e+00 : f32
      %max3A_759 = vector.broadcast %max3A_758 : f32 to vector<16xf32>
      %max3A_760 = arith.maximumf %min3A_757, %max3A_759 : vector<16xf32>
      %add3A_761 = arith.addf %add3A_743, %max3A_760 : vector<16xf32>
      %add3A_762 = arith.addf %add3A_544, %convert_element_type3A_722 : vector<16xf32>
      %min3A_763 = arith.minimumf %add3A_762, %gather3A_357 : vector<16xf32>
      %max3A_764 = arith.constant 0.000000e+00 : f32
      %max3A_765 = vector.broadcast %max3A_764 : f32 to vector<16xf32>
      %max3A_766 = arith.maximumf %min3A_763, %max3A_765 : vector<16xf32>
      %add3A_767 = arith.addf %add3A_749, %max3A_766 : vector<16xf32>
      %add3A_768 = arith.addf %add3A_545, %convert_element_type3A_722 : vector<16xf32>
      %min3A_769 = arith.minimumf %add3A_768, %gather3A_361 : vector<16xf32>
      %max3A_770 = arith.constant 0.000000e+00 : f32
      %max3A_771 = vector.broadcast %max3A_770 : f32 to vector<16xf32>
      %max3A_772 = arith.maximumf %min3A_769, %max3A_771 : vector<16xf32>
      %add3A_773 = arith.addf %add3A_755, %max3A_772 : vector<16xf32>
      %add3A_774 = arith.addf %add3A_546, %convert_element_type3A_722 : vector<16xf32>
      %min3A_775 = arith.minimumf %add3A_774, %gather3A_365 : vector<16xf32>
      %max3A_776 = arith.constant 0.000000e+00 : f32
      %max3A_777 = vector.broadcast %max3A_776 : f32 to vector<16xf32>
      %max3A_778 = arith.maximumf %min3A_775, %max3A_777 : vector<16xf32>
      %add3A_779 = arith.addf %add3A_761, %max3A_778 : vector<16xf32>
      %add3A_780 = arith.addf %add3A_547, %convert_element_type3A_722 : vector<16xf32>
      %min3A_781 = arith.minimumf %add3A_780, %gather3A_369 : vector<16xf32>
      %max3A_782 = arith.constant 0.000000e+00 : f32
      %max3A_783 = vector.broadcast %max3A_782 : f32 to vector<16xf32>
      %max3A_784 = arith.maximumf %min3A_781, %max3A_783 : vector<16xf32>
      %add3A_785 = arith.addf %add3A_767, %max3A_784 : vector<16xf32>
      %add3A_786 = arith.addf %add3A_548, %convert_element_type3A_722 : vector<16xf32>
      %min3A_787 = arith.minimumf %add3A_786, %gather3A_373 : vector<16xf32>
      %max3A_788 = arith.constant 0.000000e+00 : f32
      %max3A_789 = vector.broadcast %max3A_788 : f32 to vector<16xf32>
      %max3A_790 = arith.maximumf %min3A_787, %max3A_789 : vector<16xf32>
      %add3A_791 = arith.addf %add3A_773, %max3A_790 : vector<16xf32>
      %add3A_792 = arith.addf %add3A_779, %add3A_785 : vector<16xf32>
      %add3A_793 = arith.addf %add3A_792, %add3A_791 : vector<16xf32>
      %ge3A_794 = arith.constant 2.000000e+01 : f32
      %ge3A_795 = vector.broadcast %ge3A_794 : f32 to vector<16xf32>
      %ge3A_796 = arith.cmpf oge, %add3A_793, %ge3A_795 : vector<16xf32>
      %select_n3A_797 = arith.select %ge3A_796, %shift_right_arithmetic3A_721, %select_n3A_713 : vector<16xi1>, vector<16xi32>
      %add3A_798 = arith.constant 1 : i32
      %add3A_799 = vector.broadcast %add3A_798 : i32 to vector<16xi32>
      %add3A_800 = arith.addi %shift_right_arithmetic3A_721, %add3A_799 : vector<16xi32>
      %select_n3A_801 = arith.select %ge3A_796, %select_n3A_717, %add3A_800 : vector<16xi1>, vector<16xi32>
      %lt3A_802 = arith.constant 7 : i32
      %lt3A_803 = vector.broadcast %lt3A_802 : i32 to vector<16xi32>
      %lt3A_804 = arith.cmpi slt, %select_n3A_801, %lt3A_803 : vector<16xi32>
      %jit3A_805 = arith.constant 0 : i32
      %broadcast_in_dim3A_806 = vector.broadcast %jit3A_805 : i32 to vector<16xi32>
      %select_n3A_807 = arith.select %lt3A_804, %select_n3A_801, %broadcast_in_dim3A_806 : vector<16xi1>, vector<16xi32>
      %convert_element_type3A_808 = arith.sitofp %select_n3A_807 : vector<16xi32> to vector<16xf32>
      %add3A_809 = arith.addf %add3A_537, %convert_element_type3A_808 : vector<16xf32>
      %min3A_810 = arith.minimumf %add3A_809, %gather3A_329 : vector<16xf32>
      %max3A_811 = arith.constant 0.000000e+00 : f32
      %max3A_812 = vector.broadcast %max3A_811 : f32 to vector<16xf32>
      %max3A_813 = arith.maximumf %min3A_810, %max3A_812 : vector<16xf32>
      %add3A_814 = arith.addf %add3A_538, %convert_element_type3A_808 : vector<16xf32>
      %min3A_815 = arith.minimumf %add3A_814, %gather3A_333 : vector<16xf32>
      %max3A_816 = arith.constant 0.000000e+00 : f32
      %max3A_817 = vector.broadcast %max3A_816 : f32 to vector<16xf32>
      %max3A_818 = arith.maximumf %min3A_815, %max3A_817 : vector<16xf32>
      %add3A_819 = arith.addf %add3A_539, %convert_element_type3A_808 : vector<16xf32>
      %min3A_820 = arith.minimumf %add3A_819, %gather3A_337 : vector<16xf32>
      %max3A_821 = arith.constant 0.000000e+00 : f32
      %max3A_822 = vector.broadcast %max3A_821 : f32 to vector<16xf32>
      %max3A_823 = arith.maximumf %min3A_820, %max3A_822 : vector<16xf32>
      %add3A_824 = arith.addf %add3A_540, %convert_element_type3A_808 : vector<16xf32>
      %min3A_825 = arith.minimumf %add3A_824, %gather3A_341 : vector<16xf32>
      %max3A_826 = arith.constant 0.000000e+00 : f32
      %max3A_827 = vector.broadcast %max3A_826 : f32 to vector<16xf32>
      %max3A_828 = arith.maximumf %min3A_825, %max3A_827 : vector<16xf32>
      %add3A_829 = arith.addf %max3A_813, %max3A_828 : vector<16xf32>
      %add3A_830 = arith.addf %add3A_541, %convert_element_type3A_808 : vector<16xf32>
      %min3A_831 = arith.minimumf %add3A_830, %gather3A_345 : vector<16xf32>
      %max3A_832 = arith.constant 0.000000e+00 : f32
      %max3A_833 = vector.broadcast %max3A_832 : f32 to vector<16xf32>
      %max3A_834 = arith.maximumf %min3A_831, %max3A_833 : vector<16xf32>
      %add3A_835 = arith.addf %max3A_818, %max3A_834 : vector<16xf32>
      %add3A_836 = arith.addf %add3A_542, %convert_element_type3A_808 : vector<16xf32>
      %min3A_837 = arith.minimumf %add3A_836, %gather3A_349 : vector<16xf32>
      %max3A_838 = arith.constant 0.000000e+00 : f32
      %max3A_839 = vector.broadcast %max3A_838 : f32 to vector<16xf32>
      %max3A_840 = arith.maximumf %min3A_837, %max3A_839 : vector<16xf32>
      %add3A_841 = arith.addf %max3A_823, %max3A_840 : vector<16xf32>
      %add3A_842 = arith.addf %add3A_543, %convert_element_type3A_808 : vector<16xf32>
      %min3A_843 = arith.minimumf %add3A_842, %gather3A_353 : vector<16xf32>
      %max3A_844 = arith.constant 0.000000e+00 : f32
      %max3A_845 = vector.broadcast %max3A_844 : f32 to vector<16xf32>
      %max3A_846 = arith.maximumf %min3A_843, %max3A_845 : vector<16xf32>
      %add3A_847 = arith.addf %add3A_829, %max3A_846 : vector<16xf32>
      %add3A_848 = arith.addf %add3A_544, %convert_element_type3A_808 : vector<16xf32>
      %min3A_849 = arith.minimumf %add3A_848, %gather3A_357 : vector<16xf32>
      %max3A_850 = arith.constant 0.000000e+00 : f32
      %max3A_851 = vector.broadcast %max3A_850 : f32 to vector<16xf32>
      %max3A_852 = arith.maximumf %min3A_849, %max3A_851 : vector<16xf32>
      %add3A_853 = arith.addf %add3A_835, %max3A_852 : vector<16xf32>
      %add3A_854 = arith.addf %add3A_545, %convert_element_type3A_808 : vector<16xf32>
      %min3A_855 = arith.minimumf %add3A_854, %gather3A_361 : vector<16xf32>
      %max3A_856 = arith.constant 0.000000e+00 : f32
      %max3A_857 = vector.broadcast %max3A_856 : f32 to vector<16xf32>
      %max3A_858 = arith.maximumf %min3A_855, %max3A_857 : vector<16xf32>
      %add3A_859 = arith.addf %add3A_841, %max3A_858 : vector<16xf32>
      %add3A_860 = arith.addf %add3A_546, %convert_element_type3A_808 : vector<16xf32>
      %min3A_861 = arith.minimumf %add3A_860, %gather3A_365 : vector<16xf32>
      %max3A_862 = arith.constant 0.000000e+00 : f32
      %max3A_863 = vector.broadcast %max3A_862 : f32 to vector<16xf32>
      %max3A_864 = arith.maximumf %min3A_861, %max3A_863 : vector<16xf32>
      %add3A_865 = arith.addf %add3A_847, %max3A_864 : vector<16xf32>
      %add3A_866 = arith.addf %add3A_547, %convert_element_type3A_808 : vector<16xf32>
      %min3A_867 = arith.minimumf %add3A_866, %gather3A_369 : vector<16xf32>
      %max3A_868 = arith.constant 0.000000e+00 : f32
      %max3A_869 = vector.broadcast %max3A_868 : f32 to vector<16xf32>
      %max3A_870 = arith.maximumf %min3A_867, %max3A_869 : vector<16xf32>
      %add3A_871 = arith.addf %add3A_853, %max3A_870 : vector<16xf32>
      %add3A_872 = arith.addf %add3A_548, %convert_element_type3A_808 : vector<16xf32>
      %min3A_873 = arith.minimumf %add3A_872, %gather3A_373 : vector<16xf32>
      %max3A_874 = arith.constant 0.000000e+00 : f32
      %max3A_875 = vector.broadcast %max3A_874 : f32 to vector<16xf32>
      %max3A_876 = arith.maximumf %min3A_873, %max3A_875 : vector<16xf32>
      %add3A_877 = arith.addf %add3A_859, %max3A_876 : vector<16xf32>
      %add3A_878 = arith.addf %add3A_865, %add3A_871 : vector<16xf32>
      %add3A_879 = arith.addf %add3A_878, %add3A_877 : vector<16xf32>
      %add3A_880 = arith.addf %select_n3A_534, %convert_element_type3A_808 : vector<16xf32>
      %jit3A_881 = arith.constant 0x7F800000 : f32
      %broadcast_in_dim3A_882 = vector.broadcast %jit3A_881 : f32 to vector<16xf32>
      %select_n3A_883 = arith.select %or3A_536, %add3A_880, %broadcast_in_dim3A_882 : vector<16xi1>, vector<16xf32>
      %select_n3A_884 = arith.select %or3A_536, %add3A_879, %select_n3A_375 : vector<16xi1>, vector<16xf32>
      %mul3A_885 = arith.constant 16 : i32
      %mul3A_886 = arith.muli %scan3A_320, %mul3A_885 : i32
      %add3A_887 = arith.addi %min3A_3, %mul3A_886 : i32
      %add3A_888 = vector.broadcast %add3A_887 : i32 to vector<16xi32>
      %add3A_889 = arith.addi %iota3A, %add3A_888 : vector<16xi32>
      %lt3A_890 = arith.cmpf olt, %select_n3A_883, %scan3A_321 : vector<16xf32>
      %eq3A_891 = arith.cmpf oeq, %select_n3A_883, %scan3A_321 : vector<16xf32>
      %gt3A_892 = arith.cmpf ogt, %select_n3A_884, %scan3A_322 : vector<16xf32>
      %and3A_893 = arith.andi %eq3A_891, %gt3A_892 : vector<16xi1>
      %or3A_894 = arith.ori %lt3A_890, %and3A_893 : vector<16xi1>
      %select_n3A_895 = arith.select %lt3A_890, %select_n3A_883, %scan3A_321 : vector<16xi1>, vector<16xf32>
      %select_n3A_896 = arith.select %or3A_894, %select_n3A_884, %scan3A_322 : vector<16xi1>, vector<16xf32>
      %select_n3A_897 = arith.select %or3A_894, %add3A_889, %scan3A_323 : vector<16xi1>, vector<16xi32>
      scf.yield %select_n3A_895, %select_n3A_896, %select_n3A_897 : vector<16xf32>, vector<16xf32>, vector<16xi32>
    }
    %scan3A_311 = arith.constant 489 : i32
    %swap3A = arith.constant 0 : index
    %swap3A_312 = tpu.vector_load %arg10[%swap3A] {strides = array<i32>} : memref<16xf32, #tpu.memory_space<vmem>>, vector<16xf32>,
    tpu.vector_store %arg10[%swap3A], %scan3A_310#0 {strides = array<i32>} : memref<16xf32, #tpu.memory_space<vmem>>, vector<16xf32>,
    %swap3A_313 = arith.constant 0 : index
    %swap3A_314 = tpu.vector_load %arg11[%swap3A_313] {strides = array<i32>} : memref<16xf32, #tpu.memory_space<vmem>>, vector<16xf32>,
    tpu.vector_store %arg11[%swap3A_313], %scan3A_310#1 {strides = array<i32>} : memref<16xf32, #tpu.memory_space<vmem>>, vector<16xf32>,
    %swap3A_315 = arith.constant 0 : index
    %swap3A_316 = tpu.vector_load %arg12[%swap3A_315] {strides = array<i32>} : memref<16xi32, #tpu.memory_space<vmem>>, vector<16xi32>,
    tpu.vector_store %arg12[%swap3A_315], %scan3A_310#2 {strides = array<i32>} : memref<16xi32, #tpu.memory_space<vmem>>, vector<16xi32>,
    %mul3A_317 = arith.constant 16 : i32
    %mul3A_318 = arith.muli %add3A, %mul3A_317 : i32
    %multiple_of3A_319 = tpu.assume_multiple %mul3A_318, 8 : i32
    "tpu.region"() ({
      %run_scoped3A = tpu.sem_alloc : memref<!tpu.dma_semaphore, #tpu.memory_space<semaphore_mem>>
      %dma_start3A_320 = tpu.memref_slice %arg4[%multiple_of3A_319] : memref<512xf32, #tpu.memory_space<hbm>> -> memref<16xf32, #tpu.memory_space<hbm>>
      %dma_start3A_321 = tpu.memref_slice %arg4[%multiple_of3A_319] : memref<512xf32, #tpu.memory_space<hbm>> -> memref<16xf32, #tpu.memory_space<hbm>>
      tpu.enqueue_dma source(%arg10 : memref<16xf32, #tpu.memory_space<vmem>>) target(%dma_start3A_321 : memref<16xf32, #tpu.memory_space<hbm>>) target_semaphore(%run_scoped3A : memref<!tpu.dma_semaphore, #tpu.memory_space<semaphore_mem>>)
      %dma_wait3A_322 = tpu.memref_slice %arg4[%multiple_of3A_319] : memref<512xf32, #tpu.memory_space<hbm>> -> memref<16xf32, #tpu.memory_space<hbm>>
      %dma_wait3A_323 = tpu.memref_slice %arg4[%multiple_of3A_319] : memref<512xf32, #tpu.memory_space<hbm>> -> memref<16xf32, #tpu.memory_space<hbm>>
      tpu.wait_dma2 semaphore(%run_scoped3A : memref<!tpu.dma_semaphore, #tpu.memory_space<semaphore_mem>>) src(%arg10 : memref<16xf32, #tpu.memory_space<vmem>>) dst(%dma_wait3A_323 : memref<16xf32, #tpu.memory_space<hbm>>)
      tpu.yield
    }) : () -> ()
    "tpu.region"() ({
      %run_scoped3A = tpu.sem_alloc : memref<!tpu.dma_semaphore, #tpu.memory_space<semaphore_mem>>
      %dma_start3A_320 = tpu.memref_slice %arg5[%multiple_of3A_319] : memref<512xf32, #tpu.memory_space<hbm>> -> memref<16xf32, #tpu.memory_space<hbm>>
      %dma_start3A_321 = tpu.memref_slice %arg5[%multiple_of3A_319] : memref<512xf32, #tpu.memory_space<hbm>> -> memref<16xf32, #tpu.memory_space<hbm>>
      tpu.enqueue_dma source(%arg11 : memref<16xf32, #tpu.memory_space<vmem>>) target(%dma_start3A_321 : memref<16xf32, #tpu.memory_space<hbm>>) target_semaphore(%run_scoped3A : memref<!tpu.dma_semaphore, #tpu.memory_space<semaphore_mem>>)
      %dma_wait3A_322 = tpu.memref_slice %arg5[%multiple_of3A_319] : memref<512xf32, #tpu.memory_space<hbm>> -> memref<16xf32, #tpu.memory_space<hbm>>
      %dma_wait3A_323 = tpu.memref_slice %arg5[%multiple_of3A_319] : memref<512xf32, #tpu.memory_space<hbm>> -> memref<16xf32, #tpu.memory_space<hbm>>
      tpu.wait_dma2 semaphore(%run_scoped3A : memref<!tpu.dma_semaphore, #tpu.memory_space<semaphore_mem>>) src(%arg11 : memref<16xf32, #tpu.memory_space<vmem>>) dst(%dma_wait3A_323 : memref<16xf32, #tpu.memory_space<hbm>>)
      tpu.yield
    }) : () -> ()
    "tpu.region"() ({
      %run_scoped3A = tpu.sem_alloc : memref<!tpu.dma_semaphore, #tpu.memory_space<semaphore_mem>>
      %dma_start3A_320 = tpu.memref_slice %arg6[%multiple_of3A_319] : memref<512xi32, #tpu.memory_space<hbm>> -> memref<16xi32, #tpu.memory_space<hbm>>
      %dma_start3A_321 = tpu.memref_slice %arg6[%multiple_of3A_319] : memref<512xi32, #tpu.memory_space<hbm>> -> memref<16xi32, #tpu.memory_space<hbm>>
      tpu.enqueue_dma source(%arg12 : memref<16xi32, #tpu.memory_space<vmem>>) target(%dma_start3A_321 : memref<16xi32, #tpu.memory_space<hbm>>) target_semaphore(%run_scoped3A : memref<!tpu.dma_semaphore, #tpu.memory_space<semaphore_mem>>)
      %dma_wait3A_322 = tpu.memref_slice %arg6[%multiple_of3A_319] : memref<512xi32, #tpu.memory_space<hbm>> -> memref<16xi32, #tpu.memory_space<hbm>>
      %dma_wait3A_323 = tpu.memref_slice %arg6[%multiple_of3A_319] : memref<512xi32, #tpu.memory_space<hbm>> -> memref<16xi32, #tpu.memory_space<hbm>>
      tpu.wait_dma2 semaphore(%run_scoped3A : memref<!tpu.dma_semaphore, #tpu.memory_space<semaphore_mem>>) src(%arg12 : memref<16xi32, #tpu.memory_space<vmem>>) dst(%dma_wait3A_323 : memref<16xi32, #tpu.memory_space<hbm>>)
      tpu.yield
    }) : () -> ()
    return
  }
}

module attributes {stable_mosaic.version = 14 : i64} {
  func.func @tnn_k2(%arg0: i32, %arg1: memref<12x1xf32, #tpu.memory_space<vmem>>, %arg2: memref<32x16xf32, #tpu.memory_space<vmem>>, %arg3: memref<32x16xf32, #tpu.memory_space<vmem>>, %arg4: memref<32x16xi32, #tpu.memory_space<vmem>>, %arg5: memref<12x2048xf32, #tpu.memory_space<vmem>>, %arg6: memref<12x2048xf32, #tpu.memory_space<vmem>>, %arg7: memref<1x1x2048xf32, #tpu.memory_space<vmem>>) attributes {dimension_semantics = [#tpu.dimension_semantics<arbitrary>], iteration_bounds = array<i64: 123>, scalar_prefetch = 0 : i64, scratch_operands = 0 : i64, tpu.core_type = #tpu.core_type<tc>, window_params = [{pipeline_mode = #tpu.pipeline_mode<synchronous>, transform_indices = @transform_0, window_bounds = array<i64: 12, 1>}, {pipeline_mode = #tpu.pipeline_mode<synchronous>, transform_indices = @transform_1, window_bounds = array<i64: 32, 16>}, {pipeline_mode = #tpu.pipeline_mode<synchronous>, transform_indices = @transform_2, window_bounds = array<i64: 32, 16>}, {pipeline_mode = #tpu.pipeline_mode<synchronous>, transform_indices = @transform_3, window_bounds = array<i64: 32, 16>}, {transform_indices = @transform_4, window_bounds = array<i64: 12, 2048>}, {transform_indices = @transform_5, window_bounds = array<i64: 12, 2048>}, {transform_indices = @transform_6, window_bounds = array<i64: 1, 1, 2048>}]} {
    %get3A = arith.constant 0 : index
    %get3A_0 = arith.constant 0 : index
    %get3A_1 = vector.load %arg2[%get3A, %get3A_0] : memref<32x16xf32, #tpu.memory_space<vmem>>, vector<32x16xf32>
    %get3A_2 = arith.constant 0 : index
    %get3A_3 = arith.constant 0 : index
    %get3A_4 = vector.load %arg3[%get3A_2, %get3A_3] : memref<32x16xf32, #tpu.memory_space<vmem>>, vector<32x16xf32>
    %get3A_5 = arith.constant 0 : index
    %get3A_6 = arith.constant 0 : index
    %get3A_7 = vector.load %arg4[%get3A_5, %get3A_6] : memref<32x16xi32, #tpu.memory_space<vmem>>, vector<32x16xi32>
    %reduce_min3A = vector.shape_cast %get3A_1 : vector<32x16xf32> to vector<1x32x16xf32>
    %reduce_min3A_8 = arith.constant dense<0x7F800000> : vector<1xf32>
    %reduce_min3A_9 = vector.multi_reduction <minimumf>, %reduce_min3A, %reduce_min3A_8 [1, 2] : vector<1x32x16xf32> to vector<1xf32>
    %reduce_min3A_10 = vector.shape_cast %reduce_min3A_9 : vector<1xf32> to vector<1x1x1xf32>
    %reduce_min3A_11 = vector.extract %reduce_min3A_10[0, 0, 0] : f32 from vector<1x1x1xf32>
    %eq3A = vector.broadcast %reduce_min3A_11 : f32 to vector<32x16xf32>
    %eq3A_12 = arith.cmpf oeq, %get3A_1, %eq3A : vector<32x16xf32>
    %jit3A = arith.constant 0xFF800000 : f32
    %broadcast_in_dim3A = vector.broadcast %jit3A : f32 to vector<32x16xf32>
    %select_n3A = arith.select %eq3A_12, %get3A_4, %broadcast_in_dim3A : vector<32x16xi1>, vector<32x16xf32>
    %reduce_max3A = vector.shape_cast %select_n3A : vector<32x16xf32> to vector<1x32x16xf32>
    %reduce_max3A_13 = arith.constant dense<0xFF800000> : vector<1xf32>
    %reduce_max3A_14 = vector.multi_reduction <maximumf>, %reduce_max3A, %reduce_max3A_13 [1, 2] : vector<1x32x16xf32> to vector<1xf32>
    %reduce_max3A_15 = vector.shape_cast %reduce_max3A_14 : vector<1xf32> to vector<1x1x1xf32>
    %reduce_max3A_16 = vector.extract %reduce_max3A_15[0, 0, 0] : f32 from vector<1x1x1xf32>
    %eq3A_17 = vector.broadcast %reduce_max3A_16 : f32 to vector<32x16xf32>
    %eq3A_18 = arith.cmpf oeq, %select_n3A, %eq3A_17 : vector<32x16xf32>
    %and3A = arith.andi %eq3A_12, %eq3A_18 : vector<32x16xi1>
    %jit3A_19 = arith.constant 2147483647 : i32
    %broadcast_in_dim3A_20 = vector.broadcast %jit3A_19 : i32 to vector<32x16xi32>
    %select_n3A_21 = arith.select %and3A, %get3A_7, %broadcast_in_dim3A_20 : vector<32x16xi1>, vector<32x16xi32>
    %reduce_min3A_22 = vector.shape_cast %select_n3A_21 : vector<32x16xi32> to vector<1x32x16xi32>
    %reduce_min3A_23 = arith.constant dense<2147483647> : vector<1xi32>
    %reduce_min3A_24 = vector.multi_reduction <minsi>, %reduce_min3A_22, %reduce_min3A_23 [1, 2] : vector<1x32x16xi32> to vector<1xi32>
    %reduce_min3A_25 = vector.shape_cast %reduce_min3A_24 : vector<1xi32> to vector<1x1x1xi32>
    %reduce_min3A_26 = vector.extract %reduce_min3A_25[0, 0, 0] : i32 from vector<1x1x1xi32>
    %mul3A = arith.constant 2048 : i32
    %mul3A_27 = arith.muli %arg0, %mul3A : i32
    %iota3A = tpu.iota {dimensions = array<i32: 1>} : vector<1x2048xi32>
    %add3A = vector.broadcast %mul3A_27 : i32 to vector<1x2048xi32>
    %add3A_28 = arith.addi %add3A, %iota3A : vector<1x2048xi32>
    %eq3A_29 = vector.broadcast %reduce_min3A_26 : i32 to vector<1x2048xi32>
    %eq3A_30 = arith.cmpi eq, %add3A_28, %eq3A_29 : vector<1x2048xi32>
    %jit3A_31 = arith.constant 0x7F800000 : f32
    %broadcast_in_dim3A_32 = vector.broadcast %reduce_min3A_11 : f32 to vector<1x2048xf32>
    %broadcast_in_dim3A_33 = vector.broadcast %jit3A_31 : f32 to vector<1x2048xf32>
    %select_n3A_34 = arith.select %eq3A_30, %broadcast_in_dim3A_32, %broadcast_in_dim3A_33 : vector<1x2048xi1>, vector<1x2048xf32>
    %reshape3A = vector.shape_cast %select_n3A_34 : vector<1x2048xf32> to vector<1x1x2048xf32>
    %swap3A = arith.constant 0 : index
    %swap3A_35 = arith.constant 0 : index
    %swap3A_36 = arith.constant 0 : index
    %swap3A_37 = vector.load %arg7[%swap3A, %swap3A_35, %swap3A_36] : memref<1x1x2048xf32, #tpu.memory_space<vmem>>, vector<1x1x2048xf32>
    tpu.vector_store %arg7[%swap3A, %swap3A_35, %swap3A_36], %reshape3A {strides = array<i32>} : memref<1x1x2048xf32, #tpu.memory_space<vmem>>, vector<1x1x2048xf32>,
    %mul3A_38 = arith.constant 2048 : i32
    %mul3A_39 = arith.muli %arg0, %mul3A_38 : i32
    %iota3A_40 = tpu.iota {dimensions = array<i32: 1>} : vector<12x2048xi32>
    %add3A_41 = vector.broadcast %mul3A_39 : i32 to vector<12x2048xi32>
    %add3A_42 = arith.addi %add3A_41, %iota3A_40 : vector<12x2048xi32>
    %eq3A_43 = vector.broadcast %reduce_min3A_26 : i32 to vector<12x2048xi32>
    %eq3A_44 = arith.cmpi eq, %add3A_42, %eq3A_43 : vector<12x2048xi32>
    %jit3A_45 = arith.constant 0x7F800000 : f32
    %broadcast_in_dim3A_46 = vector.broadcast %reduce_min3A_11 : f32 to vector<12x2048xf32>
    %broadcast_in_dim3A_47 = vector.broadcast %jit3A_45 : f32 to vector<12x2048xf32>
    %select_n3A_48 = arith.select %eq3A_44, %broadcast_in_dim3A_46, %broadcast_in_dim3A_47 : vector<12x2048xi1>, vector<12x2048xf32>
    %swap3A_49 = arith.constant 0 : index
    %swap3A_50 = arith.constant 0 : index
    %swap3A_51 = vector.load %arg6[%swap3A_49, %swap3A_50] : memref<12x2048xf32, #tpu.memory_space<vmem>>, vector<12x2048xf32>
    tpu.vector_store %arg6[%swap3A_49, %swap3A_50], %select_n3A_48 {strides = array<i32>} : memref<12x2048xf32, #tpu.memory_space<vmem>>, vector<12x2048xf32>,
    %get3A_52 = arith.constant 0 : index
    %get3A_53 = arith.constant 0 : index
    %get3A_54 = vector.load %arg1[%get3A_52, %get3A_53] : memref<12x1xf32, #tpu.memory_space<vmem>>, vector<12x1xf32>
    %broadcast_in_dim3A_55 = vector.shape_cast %get3A_54 : vector<12x1xf32> to vector<12x1xf32>
    %broadcast_in_dim3A_56 = vector.broadcast %broadcast_in_dim3A_55 : vector<12x1xf32> to vector<12x2048xf32>
    %swap3A_57 = arith.constant 0 : index
    %swap3A_58 = arith.constant 0 : index
    %swap3A_59 = vector.load %arg5[%swap3A_57, %swap3A_58] : memref<12x2048xf32, #tpu.memory_space<vmem>>, vector<12x2048xf32>
    tpu.vector_store %arg5[%swap3A_57, %swap3A_58], %broadcast_in_dim3A_56 {strides = array<i32>} : memref<12x2048xf32, #tpu.memory_space<vmem>>, vector<12x2048xf32>,
    return
  }
  func.func @transform_0(%arg0: i32) -> (i32, i32) {
    %c0_i32 = arith.constant 0 : i32
    %c0_i32_0 = arith.constant 0 : i32
    %c0_i32_1 = arith.constant 0 : i32
    return %c0_i32, %c0_i32_0 : i32, i32
  }
  func.func @transform_1(%arg0: i32) -> (i32, i32) {
    %c0_i32 = arith.constant 0 : i32
    %c0_i32_0 = arith.constant 0 : i32
    %c0_i32_1 = arith.constant 0 : i32
    return %c0_i32, %c0_i32_0 : i32, i32
  }
  func.func @transform_2(%arg0: i32) -> (i32, i32) {
    %c0_i32 = arith.constant 0 : i32
    %c0_i32_0 = arith.constant 0 : i32
    %c0_i32_1 = arith.constant 0 : i32
    return %c0_i32, %c0_i32_0 : i32, i32
  }
  func.func @transform_3(%arg0: i32) -> (i32, i32) {
    %c0_i32 = arith.constant 0 : i32
    %c0_i32_0 = arith.constant 0 : i32
    %c0_i32_1 = arith.constant 0 : i32
    return %c0_i32, %c0_i32_0 : i32, i32
  }
  func.func @transform_4(%arg0: i32) -> (i32, i32) {
    %c0_i32 = arith.constant 0 : i32
    %c0_i32_0 = arith.constant 0 : i32
    return %c0_i32, %arg0 : i32, i32
  }
  func.func @transform_5(%arg0: i32) -> (i32, i32) {
    %c0_i32 = arith.constant 0 : i32
    %c0_i32_0 = arith.constant 0 : i32
    return %c0_i32, %arg0 : i32, i32
  }
  func.func @transform_6(%arg0: i32) -> (i32, i32, i32) {
    %c0_i32 = arith.constant 0 : i32
    %c0_i32_0 = arith.constant 0 : i32
    %c0_i32_1 = arith.constant 0 : i32
    return %c0_i32, %c0_i32_0, %arg0 : i32, i32, i32
  }
}

</mosaic_0001>

<sc_bundles>
// kernel: tnn_k1.3.cloned.1.call-start
scs
__scs_entry_jumppad:
0x0: {  	(pc) =	sbr.rel $0x88, $3  }
0x1: {  	(tag) =	ssettag $0x0;
	lr =	simm.s32 $0x1  }
0x2: {  	[smem:$0x3F9E] =	sst lr;
	_ =	strace $0xD0000000  }
0x3: {  	_ = 	snop  }
0x4: {  	_ = 	snop  }
0x5: {  	_ = 	snop  }
0x6: {  	_ = 	snop  }
0x7: {  	_ = 	snop  }
__scs_overlays_trampoline_lowered:
0x8: {  	[smem:$0x3FAD] =	sst s0  }
0x9: {  	[smem:$0x3FAE] =	sst s1  }
0xa: {  	[smem:$0x3FAF] =	sst s2  }
0xb: {  	[smem:$0x3FB0] =	sst s3  }
0xc: {  	[smem:$0x3FB1] =	sst s4  }
0xd: {  	[smem:$0x3FB2] =	sst s5  }
0xe: {  	[smem:$0x3FB3] =	sst s6  }
0xf: {  	[smem:$0x3FB4] =	sst s7  }
0x10: {  	[smem:$0x3FB5] =	sst s8  }
0x11: {  	[smem:$0x3FB6] =	sst s9;
	s0 =	simm.s32 @!p0 $0x0  }
0x12: {  	s1 =	sld [smem:$0x3F9C];
	s0 =	simm.s32 @p0 $0x1  }
0x13: {  	[smem:$0x3FB7] =	sst s0;
	s0 =	simm.s32 @!p1 $0x0  }
0x14: {  	s2 =	sld [smem:$0x3F9B];
	s0 =	simm.s32 @p1 $0x1  }
0x15: {  	[smem:$0x3FB8] =	sst s0;
	s0 =	simm.s32 @!p2 $0x0  }
0x16: {  	s3 =	sld [smem:$0x3FDB];
	s0 =	simm.s32 @p2 $0x1  }
0x17: {  	s4 =	simm.s32 $0x1BF5;
	[smem:$0x3FBA] =	sst s0  }
0x18: {  	s0 =	sld [smem:$0x3F9D];
	_ =	swait.ge [sflag:s4], $0x0  }
0x19: {  	s7 =	sld [smem:$0x3F9E]  }
0x1a: {  	s8 =	sadd.s32 $0xFFFFE003, lr  }
0x1b: {  	s9 =	sadd.s32 $0xFFFFFEF7, lr;
	s5 =	simm.s32 $0xFFFFFFFF;
	p2 =	slt.u32 s8, $0xFFFFF086  }
0x1c: {  	p1 =	slt.u32 s9, $0xF7A;
	s5 =	simm.s32 @!p2 $0x0  }
0x1d: {  	s5 =	simm.s32 @p1 $0x1;
	p0 =	seq.s32 s7, s2  }
0x1e: {  	s7 =	smul.u32 @!p0 $0xF7A, s2;
	p2 =	seq.s32 @!p0 s5, $0x0  }
0x1f: {  	s9 =	smul.u32 $0xF7A, s1;
	s8 =	simm.s32 @!p0 $0x1BF5;
	p2 =	por !p2, p0  }
0x20: {  	[sflag:s8] =	ssyncset.s32 @!p0 $0xFFFFF086;
	s6 =	sadd.s32 @!p0 s3, s7;
	s7 =	simm.s32 @!p0 $0x108  }
0x21: {  	s3 =	sadd.s32 s3, s9;
	s6 =	sadd.s32 @!p0 $0x88, s6;
	s7 =	simm.s32 @p2 $0x1082  }
0x22: {  	[simem:s7], [sflag:s8] =	dma.local @!p0 [hbm:s6], $0xF7A  }
0x23: {  	s9 =	sor.u32 $0xD0000000, s2;
	s6 =	simm.s32 $0x108;
	_ =	swait.ge @!p0 [sflag:s8], $0x0  }
0x24: {  	s3 =	sadd.s32 $0x88, s3;
	s6 =	simm.s32 @!p1 $0x1082;
	[sflag:s4] =	ssyncset.s32 $0xFFFFF086  }
0x25: {  	[simem:s6], [sflag:s4] =	dma.local [hbm:s3], $0xF7A  }
0x26: {  	[smem:$0x3F9E] =	sst s1;
	(tag) =	ssettag s2;
	_ =	strace s9  }
0x27: {  	s1 =	sld [smem:$0x3FAE]  }
0x28: {  	s2 =	sld [smem:$0x3FAF]  }
0x29: {  	s4 =	sld [smem:$0x3FB1]  }
0x2a: {  	p0 =	seq.s32 s5, $0x0;
	s5 =	sld [smem:$0x3FB2]  }
0x2b: {  	s6 =	sld [smem:$0x3FB3]  }
0x2c: {  	s7 =	sld [smem:$0x3FB4]  }
0x2d: {  	s3 =	simm.s32 $0x108;
	s8 =	sld [smem:$0x3FB5]  }
0x2e: {  	s3 =	simm.s32 @!p0 $0x1082;
	s9 =	sld [smem:$0x3FB6]  }
0x2f: {  	lr =	sadd.s32 s0, s3;
	s0 =	sld [smem:$0x3FAD]  }
0x30: {  	s3 =	sld [smem:$0x3FB0]  }
0x31: {  	[smem:$0x3FB9] =	sst s10  }
0x32: {  	s10 =	sld [smem:$0x3FB7];
	_ =	sdelay $0x3  }
0x33: {  	p0 =	seq.s32 s10, $0x1;
	s10 =	sld [smem:$0x3FB9];
	_ =	sdelay $0x3  }
0x34: {  	[smem:$0x3FB9] =	sst s10  }
0x35: {  	s10 =	sld [smem:$0x3FB8];
	_ =	sdelay $0x3  }
0x36: {  	p1 =	seq.s32 s10, $0x1;
	s10 =	sld [smem:$0x3FB9];
	_ =	sdelay $0x3  }
0x37: {  	[smem:$0x3FB9] =	sst s10  }
0x38: {  	s10 =	sld [smem:$0x3FBA]  }
0x39: {  	_ = 	snop;
	(pc) =	sbr.ind lr, $3  }
0x3a: {  	_ = 	snop  }
0x3b: {  	_ = 	snop  }
0x3c: {  	p2 =	seq.s32 s10, $0x1;
	s10 =	sld [smem:$0x3FB9]  }
0x3d: {  	_ =	shalt  }
0x3e: {  	_ =	shalt  }
0x3f: {  	_ =	shalt  }
0x40: {  	_ =	shalt  }
0x41: {  	_ =	shalt  }
0x42: {  	_ =	shalt  }
0x43: {  	_ =	shalt  }
0x44: {  	_ =	shalt  }
0x45: {  	_ =	shalt  }
0x46: {  	_ =	shalt  }
0x47: {  	_ =	shalt  }
0x48: {  	_ =	shalt  }
0x49: {  	_ =	shalt  }
0x4a: {  	_ =	shalt  }
0x4b: {  	_ =	shalt  }
0x4c: {  	_ =	shalt  }
0x4d: {  	_ =	shalt  }
0x4e: {  	_ =	shalt  }
0x4f: {  	_ =	shalt  }
0x50: {  	_ =	shalt  }
0x51: {  	_ =	shalt  }
0x52: {  	_ =	shalt  }
0x53: {  	_ =	shalt  }
0x54: {  	_ =	shalt  }
0x55: {  	_ =	shalt  }
0x56: {  	_ =	shalt  }
0x57: {  	_ =	shalt  }
0x58: {  	_ =	shalt  }
0x59: {  	_ =	shalt  }
0x5a: {  	_ =	shalt  }
0x5b: {  	_ =	shalt  }
0x5c: {  	_ =	shalt  }
0x5d: {  	_ =	shalt  }
0x5e: {  	_ =	shalt  }
0x5f: {  	_ =	shalt  }
0x60: {  	_ =	shalt  }
0x61: {  	_ =	shalt  }
0x62: {  	_ =	shalt  }
0x63: {  	_ =	shalt  }
0x64: {  	_ =	shalt  }
0x65: {  	_ =	shalt  }
0x66: {  	_ =	shalt  }
0x67: {  	_ =	shalt  }
0x68: {  	_ =	shalt  }
0x69: {  	_ =	shalt  }
0x6a: {  	_ =	shalt  }
0x6b: {  	_ =	shalt  }
0x6c: {  	_ =	shalt  }
0x6d: {  	_ =	shalt  }
0x6e: {  	_ =	shalt  }
0x6f: {  	_ =	shalt  }
0x70: {  	_ =	shalt  }
0x71: {  	_ =	shalt  }
0x72: {  	_ =	shalt  }
0x73: {  	_ =	shalt  }
0x74: {  	_ =	shalt  }
0x75: {  	_ =	shalt  }
0x76: {  	_ =	shalt  }
0x77: {  	_ =	shalt  }
0x78: {  	_ =	shalt  }
0x79: {  	_ =	shalt  }
0x7a: {  	_ =	shalt  }
0x7b: {  	_ =	shalt  }
0x7c: {  	_ =	shalt  }
0x7d: {  	_ =	shalt  }
0x7e: {  	_ =	shalt  }
0x7f: {  	_ =	shalt  }
0x80: {  	_ =	shalt  }
0x81: {  	_ =	shalt  }
0x82: {  	_ =	shalt  }
0x83: {  	_ =	shalt  }
0x84: {  	_ =	shalt  }
0x85: {  	_ =	shalt  }
0x86: {  	_ =	shalt  }
0x87: {  	_ =	shalt  }
.Lfunc_end0:
.L_simem_size_0:
called_computation_lowered:
.L_overlay_start_0:
0x88: {  	s2 =	sld [smem:$0x3FD9]  }
0x89: {  	s3 =	sld [smem:$0x3FFE];
	_ =	sdelay $0x1  }
0x8a: {  	s1 =	srdreg.scid  }
0x8b: {  	s0 =	sand.u32 $0x1, s1  }
0x8c: {  	s14 =	sshll.u32 s0, $0xA;
	s2 =	sadd.s32 s3, s2  }
0x8d: {  	s2 =	sadd.s32 s2, s14  }
0x8e: {  	[smem:$0x3FC5] =	sst s2  }
0x8f: {  	_ = 	snop  }
0x90: {  	s2 =	sld [smem:$0x3FD0];
	_ =	sdelay $0x2  }
0x91: {  	s4 =	simm.s32 $0xA;
	s5 =	simm.s32 $0x10;
	s15 =	sld [smem:$0x3FC9]  }
0x92: {  	[smem:s5], [sflag:s4] =	dma.local [hbm:s2], $0x1  }
0x93: {  	_ =	swait.eq [sflag:s4], $0x1  }
0x94: {  	s16 =	sld [smem:$0x10];
	[sflag:s4] =	ssyncset.done $0x0  }
0x95: {  	s17 =	sld [smem:$0x11];
	[sflag:s4] =	ssyncadd.s32 $0xFFFFFFFF  }
0x96: {  	s18 =	sld [smem:$0x12];
	(tm) =	ssettm $0x1  }
0x97: {  	s6 =	sld [smem:$0x3FFB];
	_ =	sdelay $0x3  }
0x98: {  	_ =	strace s6  }
0x99: {  	s6 =	sld [smem:$0x3FFC];
	_ =	sdelay $0x3  }
0x9a: {  	_ =	strace s6  }
0x9b: {  	s6 =	sld [smem:$0x3FFD];
	_ =	sdelay $0x3  }
0x9c: {  	_ =	strace s6  }
0x9d: {  	_ =	strace $0x8FFFFFFF  }
0x9e: {  	s19 =	sld [smem:$0x3FDB];
	_ =	sdelay $0x1  }
0x9f: {  	s7 =	simm.s32 $_scs_section_size  }
0xa0: {  	s8 =	simm.s32 $_size__tile_overlayer_lowered;
	s9 =	simm.s32 $_tile_overlayer_lowered  }
0xa1: {  	s22 =	simm.s32 $0x1BFF;
	s21 =	sshll.u32 s9, $0x1;
	s6 =	sadd.s32 s7, s19  }
0xa2: {  	s10 =	simm.s32 $0x0;
	s20 =	sshll.u32 s8, $0x1;
	s8 =	sadd.s32 s21, s6  }
0xa3: {  	[timem:s10], [sflag:s22] =	dma.local [hbm:s8], s20  }
0xa4: {  	_ =	swait.ge [sflag:s22], s20  }
0xa5: {  	s7 =	ssub.s32 $0x0, s20;
	[sflag:s22] =	ssyncset.done $0x0  }
0xa6: {  	[sflag:s22] =	ssyncadd.s32 s7;
	_ =	sdelay $0x1  }
0xa7: {  	s23 =	simm.s32 $0x1B8B  }
0xa8: {  	_ =	swait.ge [sflag:s23], $0x1  }
0xa9: {  	[sflag:s23] =	ssyncset.done $0x0  }
0xaa: {  	s25 =	simm.s32 $0x1B8E;
	s24 =	sld [smem:$0x3FFE];
	[sflag:s23] =	ssyncadd.s32 $0xFFFFFFFF  }
0xab: {  	s26 =	simm.s32 $execute0_lowered;
	[smem:$0x3FD2] =	sst s25  }
0xac: {  	s8 =	sshll.u32 s26, $0x1;
	_ =	strace $0x80000046;
	[dreg:$0x1] =	wrdreg $0xFFFFFFFF  }
0xad: {  	s28 =	simm.s32 $_size_execute0_lowered;
	s6 =	sadd.s32 s6, s8;
	[dreg:$0x0] =	wrdreg $0x0  }
0xae: {  	s8 =	sshll.u32 s28, $0x1;
	[dreg:$0x2] =	wrdreg s6  }
0xaf: {  	[dreg:$0x3] =	wrdreg s8  }
0xb0: {  	[dreg:$0x4] =	wrdreg $0xC0  }
0xb1: {  	_ =	task [dreg:s10], $0x5FFFF  }
0xb2: {  	[dreg:$0x1] =	wrdreg $0xFFFFFFFF  }
0xb3: {  	[dreg:$0x0] =	wrdreg $0x60  }
0xb4: {  	[dreg:$0x2] =	wrdreg s15  }
0xb5: {  	[dreg:$0x3] =	wrdreg s17  }
0xb6: {  	[dreg:$0x4] =	wrdreg s18  }
0xb7: {  	[dreg:$0x5] =	wrdreg s16  }
0xb8: {  	[dreg:$0x6] =	wrdreg s24  }
0xb9: {  	[dreg:$0x7] =	wrdreg $0x9  }
0xba: {  	_ =	task.clear_ibuf [dreg:s10], $0x8FFFF;
	_ =	strace $0x90000046  }
0xbb: {  	s29 =	simm.s32 $0x9;
	_ =	strace $0x80000048  }
0xbc: {  	_ =	swait.ge [sflag:s29], $0x1  }
0xbd: {  	[sflag:s29] =	ssyncadd.s32 $0xFFFFFFFF  }
0xbe: {  	_ =	strace $0x90000048  }
0xbf: {  	_ =	sfence  }
0xc0: {  	s30 =	sld [smem:$0x0];
	_ =	sdelay $0x2  }
0xc1: {  	s31 =	sshll.u32 s1, $0xD;
	s1 =	sshrl.u32 s1, $0x2  }
0xc2: {  	s3 =	sand.u32 $0x4000, s31;
	s1 =	sadd.s32 s1, s30  }
0xc3: {  	s0 =	sor.u32 s3, s0;
	s1 =	sshll.u32 s1, $0x11  }
0xc4: {  	s0 =	sor.u32 s1, s0  }
0xc5: {  	s0 =	sadd.s32 $0x8F2B, s0  }
0xc6: {  	[sflag:s0] =	ssyncadd.remote.s32 $0x1  }
0xc7: {  	_ =	sfence.sel $0xFFFF  }
0xc8: {  	[dreg:$0x0] =	wrdreg $0xFFFFFFFF;
	(pc) =	sbr.abs _section_cstart, $3  }
0xc9: {  	[dreg:$0x1] =	wrdreg $0xFFFFFFFF  }
0xca: {  	_ =	task.clear_ibuf [dreg:s10], $0x2FFFF;
	_ =	strace $0x9FFFFFFF  }
0xcb: {  	(tm) =	ssettm $0x7FFFFFFF  }
tec
execute0_lowered:
.L_overlay_start_1:
0x0: {  	(tag) =	ssettag $0x1  }
0x1: {  	s0 =	rddreg [dreg:$0x1]  }
0x2: {  	s2 =	rddreg [dreg:$0x2]  }
0x3: {  	s1 =	srdreg.scid;
	s6 =	rddreg [dreg:$0x3]  }
0x4: {  	s11 =	stileid.u32;
	s4 =	rddreg [dreg:$0x4]  }
0x5: {  	s13 =	simm.s32 $0x1;
	s17 =	simm.s32 $0x0;
	s1 =	sand.u32 $0x1, s1  }
0x6: {  	s3 =	sshll.u32 s1, $0x4;
	s23 =	ssub.s32 $0x2, s1;
	s1 =	smul.u32 $0x1E900, s1  }
0x7: {  	s5 =	sor.u32 s11, s3;
	s3 =	simm.s32 $0x0;
	s11 =	smul.u32 $0x1E90, s11  }
0x8: {  	s24 =	sshrl.u32 s23, $0x1;
	s7 =	smul.u32 $0x1E90, s5;
	[smem:$0x7FF] =	sst s3  }
0x9: {  	s8 =	sshll.u32 s5, $0x1;
	s10 =	ssub.s32 s23, s24;
	_ =	strace $0x80000047  }
0xa: {  	s9 =	sadd.s32 s8, s4;
	s26 =	sadd.s32 s2, s8;
	s7 =	smin.u32 s7, $0x3B200  }
0xb: {  	s28 =	sadd.s32 s6, s8;
	[dreg:$0x7] =	wrdreg s26;
	s7 =	smul.u32 $0xC, s7  }
0xc: {  	s30 =	smax.u32 s10, $0x1;
	s31 =	sadd.s32 s11, s1;
	[dreg:$0x8] =	wrdreg s28  }
0xd: {  	vm0 =	vmmov $0xfff;
	v1 =	vimm.s32 $0x0;
	s29 =	sadd.s32 $0xA00, s9;
	[dreg:$0xa] =	wrdreg s30;
	s25 =	sshrl.u32 s7, $0x3  }
0xe: {  	v0 =	vlaneseq.u32;
	v1 =	vsel vm0, $0xFFFFFFFF, v1;
	s10 =	simm.s32 $0x20;
	[dreg:$0x9] =	wrdreg s29;
	s0 =	sadd.s32 s0, s25  }
0xf: {  	v2 =	vmul.u32 $0xC, v0;
	s11 =	simm.s32 $0x2;
	[tilespmem:$0x1FFF0] =	vst v1;
	s9 =	smin.u32 s31, $0x3B200;
	[dreg:$0x6] =	wrdreg s0  }
.LBB2_1:
0x10: {  	s0 =	rddreg [dreg:$0x6]  }
0x11: {  	[tilespmem:s10], [sflag:$0x1] =	stream.linear.gather [hbm4b:s0+s3], $0x16EC0, $0x38;
	[tilespmem:$0x16F10] =	vst v63  }
0x12: {  	s6 =	rddreg [dreg:$0x0]  }
0x13: {  	[tilespmem:s3], [sflag:$0x2] =	stream.linear.gather [hbm4b:s6+s3], $0x10, $0x38;
	[tilespmem:$0x16F10] =	vst v63  }
0x14: {  	_ =	swait.ge [sflag:s11], $0x10  }
0x15: {  	[sflag:s11] =	ssyncset.done $0x0  }
0x16: {  	[sflag:s11] =	ssyncadd.s32 $0xFFFFFFF0  }
0x17: {  	v0 =	vld [tilespmem:$0x0];
	_ =	sdelay $0x4  }
0x18: {  	vm2 =	vcmask $0x3F04;
	v1 =	vbroadcast v0, $0x0  }
0x19: {  	v16 =	vimm.s32 $0x0;
	v6 =	vbroadcast v0, $0x3;
	v12 =	vbroadcast v0, $0x6  }
0x1a: {  	vm0 =	veq.f32 v1, v0;
	vm1 =	vlt.f32 v1, v0;
	v1 =	vbroadcast v0, $0x1  }
0x1b: {  	v13 =	vbroadcast v0, $0x7;
	vm0 =	vmand vm0, vm2;
	v3 =	vsel vm1, $0x1, v16  }
0x1c: {  	v4 =	vsel vm0, $0x1, v16;
	vm0 =	vlt.f32 v1, v0;
	vm1 =	veq.f32 v1, v0  }
0x1d: {  	v1 =	vbroadcast v0, $0x2;
	v5 =	vsel vm0, $0x1, v16;
	vm0 =	vcmask $0x3F08  }
0x1e: {  	v15 =	vbroadcast v0, $0xA;
	vm2 =	vcmask $0x3F0C;
	vm0 =	vmand vm1, vm0  }
0x1f: {  	vm1 =	veq.f32 v1, v0;
	v3 =	vadd.s32 v3, v5;
	v7 =	vsel vm0, $0x1, v16  }
0x20: {  	vm0 =	vlt.f32 v1, v0;
	vm1 =	vmand vm1, vm2;
	vm2 =	vlt.f32 v6, v0  }
0x21: {  	v1 =	vbroadcast v0, $0x4;
	v8 =	vsel vm0, $0x1, v16;
	v9 =	vsel vm1, $0x1, v16  }
0x22: {  	v10 =	vsel vm2, $0x1, v16;
	vm0 =	veq.f32 v6, v0;
	vm2 =	vcmask $0x3F10  }
0x23: {  	v6 =	vbroadcast v0, $0x5;
	vm1 =	vlt.f32 v1, v0;
	vm0 =	vmand vm0, vm2  }
0x24: {  	v3 =	vadd.s32 v8, v3;
	vm2 =	vlt.f32 v13, v0;
	v8 =	vbroadcast v0, $0x8  }
0x25: {  	v11 =	vsel vm1, $0x1, v16;
	vm1 =	vlt.f32 v6, v0;
	v3 =	vadd.s32 v10, v3  }
0x26: {  	v5 =	vsel vm1, $0x1, v16;
	vm1 =	vlt.f32 v12, v0;
	v3 =	vadd.s32 v11, v3  }
0x27: {  	v11 =	vbroadcast v0, $0x9;
	v10 =	vsel vm1, $0x1, v16;
	vm1 =	vlt.f32 v8, v0  }
0x28: {  	v14 =	vsel vm2, $0x1, v16;
	v3 =	vadd.s32 v5, v3;
	v5 =	vsel vm1, $0x1, v16  }
0x29: {  	v3 =	vadd.s32 v10, v3;
	vm1 =	vlt.f32 v11, v0;
	v10 =	vbroadcast v0, $0xB  }
0x2a: {  	v3 =	vadd.s32 v14, v3;
	v14 =	vsel vm1, $0x1, v16;
	vm1 =	vlt.f32 v15, v0  }
0x2b: {  	v3 =	vadd.s32 v5, v3;
	v5 =	vsel vm1, $0x1, v16;
	vm1 =	vlt.f32 v10, v0  }
0x2c: {  	vm2 =	veq.f32 v1, v0;
	v3 =	vadd.s32 v14, v3;
	v1 =	vsel vm1, $0x1, v16  }
0x2d: {  	v3 =	vadd.s32 v5, v3;
	v5 =	vsel vm0, $0x1, v16;
	vm0 =	vcmask $0x3F14  }
0x2e: {  	vm1 =	vcmask $0x3F18;
	vm0 =	vmand vm2, vm0;
	v1 =	vadd.s32 v1, v3  }
0x2f: {  	v3 =	vsel vm0, $0x1, v16;
	vm0 =	veq.f32 v6, v0;
	v1 =	vadd.s32 v4, v1  }
0x30: {  	vm0 =	vmand vm0, vm1;
	vm1 =	veq.f32 v12, v0;
	v1 =	vadd.s32 v7, v1  }
0x31: {  	v4 =	vsel vm0, $0x1, v16;
	vm0 =	vcmask $0x3F1C;
	v1 =	vadd.s32 v9, v1  }
0x32: {  	vm0 =	vmand vm1, vm0;
	v1 =	vadd.s32 v5, v1  }
0x33: {  	vm1 =	vcmask $0x3F20;
	v6 =	vsel vm0, $0x1, v16;
	vm0 =	veq.f32 v13, v0  }
0x34: {  	v1 =	vadd.s32 v3, v1;
	vm0 =	vmand vm0, vm1;
	vm1 =	veq.f32 v8, v0  }
0x35: {  	v1 =	vadd.s32 v4, v1;
	v3 =	vsel vm0, $0x1, v16;
	vm0 =	vcmask $0x3F24  }
0x36: {  	v1 =	vadd.s32 v6, v1;
	vm0 =	vmand vm1, vm0  }
0x37: {  	vm1 =	vcmask $0x3F28;
	v4 =	vsel vm0, $0x1, v16;
	vm0 =	veq.f32 v11, v0  }
0x38: {  	vm0 =	vmand vm0, vm1;
	vm1 =	veq.f32 v15, v0;
	v0 =	vadd.s32 v3, v1  }
0x39: {  	v1 =	vsel vm0, $0x1, v16;
	v0 =	vadd.s32 v4, v0  }
0x3a: {  	v0 =	vadd.s32 v1, v0;
	v1 =	vld [tilespmem:$0x1FFF0];
	_ =	sdelay $0x1  }
0x3b: {  	vm0 =	vcmask $0x2F2C  }
0x3c: {  	vm0 =	vmand vm1, vm0  }
0x3d: {  	v3 =	vsel vm0, $0x1, v16  }
0x3e: {  	v30 =	vlaneseq.u32;
	v0 =	vadd.s32 v3, v0;
	vm0 =	vnez.u8 v1  }
0x3f: {  	v0 =	vsel vm0, v0, v30;
	_ =	sdelay $0x3  }
0x40: {  	s7 =	simm.s32 $0x10  }
0x41: {  	[tilespmem:v0+s7+$0x0] =	vst.idx.msk $0xffff, v30  }
0x42: {  	v0 =	vld [tilespmem:$0x10];
	_ =	sdelay $0x4  }
0x43: {  	(v2sf) =	vpush v0, $0x0  }
0x44: {  	(v2sf) =	vpush v0, $0x1  }
0x45: {  	(v2sf) =	vpush v0, $0x2  }
0x46: {  	(v2sf) =	vpush v0, $0x3  }
0x47: {  	(v2sf) =	vpush v0, $0x4  }
0x48: {  	(v2sf) =	vpush v0, $0x5  }
0x49: {  	(v2sf) =	vpush v0, $0x6  }
0x4a: {  	v1 =	vld.idx.msk [tilespmem:v0+s3+$0x0], $0xffff;
	(v2sf) =	vpush v0, $0x7  }
0x4b: {  	(v2sf) =	vpush v0, $0x8  }
0x4c: {  	(v2sf) =	vpush v0, $0x9  }
0x4d: {  	(v2sf) =	vpush v0, $0xA  }
0x4e: {  	(v2sf) =	vpush v0, $0xB  }
0x4f: {  	(v2sf) =	vpush v1, $0x0  }
0x50: {  	(v2sf) =	vpush v1, $0x1  }
0x51: {  	(v2sf) =	vpush v1, $0x2  }
0x52: {  	s18 =	spop (v2sf);
	(v2sf) =	vpush v1, $0x3  }
0x53: {  	s19 =	spop (v2sf);
	(v2sf) =	vpush v1, $0x4  }
0x54: {  	s20 =	spop (v2sf);
	(v2sf) =	vpush v1, $0x5  }
0x55: {  	s21 =	spop (v2sf);
	(v2sf) =	vpush v1, $0x6  }
0x56: {  	s22 =	spop (v2sf);
	(v2sf) =	vpush v1, $0x7  }
0x57: {  	s23 =	spop (v2sf);
	(v2sf) =	vpush v1, $0x8  }
0x58: {  	s24 =	spop (v2sf);
	(v2sf) =	vpush v1, $0x9  }
0x59: {  	s25 =	spop (v2sf);
	(v2sf) =	vpush v1, $0xA  }
0x5a: {  	s26 =	spop (v2sf);
	(v2sf) =	vpush v1, $0xB  }
0x5b: {  	s28 =	spop (v2sf)  }
0x5c: {  	s29 =	spop (v2sf)  }
0x5d: {  	s30 =	spop (v2sf)  }
0x5e: {  	s4 =	spop (v2sf)  }
0x5f: {  	s5 =	spop (v2sf)  }
0x60: {  	s6 =	spop (v2sf)  }
0x61: {  	s31 =	spop (v2sf)  }
0x62: {  	s2 =	spop (v2sf)  }
0x63: {  	s7 =	spop (v2sf)  }
0x64: {  	s0 =	spop (v2sf)  }
0x65: {  	s1 =	spop (v2sf)  }
0x66: {  	s16 =	spop (v2sf)  }
0x67: {  	s15 =	sadd.s32 $0x0, s29;
	s14 =	spop (v2sf)  }
0x68: {  	s8 =	sadd.s32 $0x0, s18;
	v0 =	vadd.s32 s15, v2;
	s12 =	spop (v2sf)  }
0x69: {  	v3 =	vadd.s32 s8, v2;
	s8 =	sadd.s32 $0x0, s19;
	s15 =	spop (v2sf)  }
0x6a: {  	v4 =	vadd.s32 s8, v2;
	s8 =	sadd.s32 $0x0, s28;
	_ =	swait.ge [sflag:s13], $0x16EC0  }
0x6b: {  	v31 =	vbroadcast v1, $0x0;
	v32 =	vbroadcast v1, $0x1;
	v5 =	vadd.s32 s8, v2;
	s8 =	sadd.s32 $0x0, s26;
	[sflag:s13] =	ssyncset.done $0x0  }
0x6c: {  	v33 =	vbroadcast v1, $0x2;
	v34 =	vbroadcast v1, $0x3;
	v7 =	vadd.s32 s8, v2;
	s8 =	sadd.s32 $0x0, s25;
	s5 =	ssub.f32 $1.000000000e+00, s5;
	[sflag:s13] =	ssyncadd.s32 $0xFFFE9140  }
0x6d: {  	v35 =	vbroadcast v1, $0x4;
	v40 =	vbroadcast v1, $0x5;
	s4 =	ssub.f32 $1.000000000e+00, s4;
	v11 =	vadd.s32 s8, v2;
	s8 =	sadd.s32 $0x0, s24;
	v6 =	vld.idx.msk [tilespmem:v0+s10+$0x0], $0xffff  }
0x6e: {  	v43 =	vbroadcast v1, $0x7;
	s6 =	ssub.f32 $1.000000000e+00, s6;
	v27 =	vmov s5;
	s5 =	sadd.s32 $0x0, s23;
	v10 =	vld.idx.msk [tilespmem:v3+s10+$0x0], $0xffff;
	v0 =	vadd.s32 s8, v2  }
0x6f: {  	v29 =	vbroadcast v1, $0xA;
	v26 =	vmov s4;
	s4 =	ssub.f32 $1.000000000e+00, s7;
	s7 =	sadd.s32 $0x0, s20;
	v12 =	vld.idx.msk [tilespmem:v4+s10+$0x0], $0xffff;
	v3 =	vadd.s32 s5, v2  }
0x70: {  	v25 =	vbroadcast v1, $0xB;
	v24 =	vmov s6;
	s6 =	sadd.s32 $0x0, s22;
	v8 =	vld.idx.msk [tilespmem:v5+s10+$0x0], $0xffff;
	v5 =	vadd.s32 s7, v2  }
0x71: {  	v44 =	vbroadcast v1, $0x8;
	v36 =	vbroadcast v1, $0x9;
	v4 =	vadd.s32 s6, v2;
	v9 =	vld.idx.msk [tilespmem:v7+s10+$0x0], $0xffff;
	s5 =	sadd.s32 $0x0, s21  }
0x72: {  	v45 =	vbroadcast v1, $0x6;
	vm14 =	veq.f32 v25, $+Inf;
	v11 =	vld.idx.msk [tilespmem:v11+s10+$0x0], $0xffff;
	v18 =	vadd.s32 s5, v2  }
0x73: {  	vm0 =	veq.f32 v29, $+Inf;
	vm1 =	veq.f32 v36, $+Inf;
	vm2 =	veq.f32 v44, $+Inf;
	v14 =	vld.idx.msk [tilespmem:v0+s10+$0x0], $0xffff  }
0x74: {  	vm3 =	veq.f32 v43, $+Inf;
	vm4 =	veq.f32 v45, $+Inf;
	vm5 =	veq.f32 v40, $+Inf;
	v13 =	vld.idx.msk [tilespmem:v3+s10+$0x0], $0xffff  }
0x75: {  	vm6 =	veq.f32 v35, $+Inf;
	vm8 =	veq.f32 v32, $+Inf;
	vm13 =	veq.f32 v31, $+Inf;
	v15 =	vld.idx.msk [tilespmem:v5+s10+$0x0], $0xffff  }
0x76: {  	vm7 =	veq.f32 v34, $+Inf;
	v16 =	vld.idx.msk [tilespmem:v4+s10+$0x0], $0xffff;
	v7 =	vsel vm13, $0x0, v10;
	v0 =	vsel vm8, $0x0, v12  }
0x77: {  	vm15 =	veq.f32 v33, $+Inf;
	v28 =	vmov s4;
	s8 =	sadd.s32 $0x0, s30;
	v19 =	vld.idx.msk [tilespmem:v18+s10+$0x0], $0xffff;
	v0 =	vadd.f32 v0, v7  }
0x78: {  	v17 =	vadd.s32 s8, v2;
	v1 =	vsel vm1, $0x0, v8;
	v3 =	vsel vm0, $0x0, v6  }
0x79: {  	v4 =	vsel vm2, $0x0, v9;
	v5 =	vsel vm3, $0x0, v11;
	vm9 =	vge.f32 v0, $2.000000000e+01  }
0x7a: {  	vm10 =	vge.f32 v7, $2.000000000e+01;
	v23 =	vnsel vm9, $0x7F800000, v32;
	v22 =	vsel vm15, $0x0, v15  }
0x7b: {  	vm9 =	vmor vm10, vm9;
	v18 =	vsel vm4, $0x0, v14;
	v0 =	vadd.f32 v22, v0  }
0x7c: {  	v20 =	vsel vm5, $0x0, v13;
	v21 =	vsel vm6, $0x0, v16;
	v22 =	vsel vm7, $0x0, v19  }
0x7d: {  	vm12 =	vmneg vm9;
	vm11 =	vge.f32 v0, $2.000000000e+01;
	v0 =	vadd.f32 v22, v0  }
0x7e: {  	v22 =	vsel vm10, v31, v23;
	vm10 =	vmand vm11, vm12;
	vm9 =	vmor vm9, vm11  }
0x7f: {  	vm11 =	vmneg vm9;
	vm12 =	vge.f32 v0, $2.000000000e+01;
	v0 =	vadd.f32 v21, v0  }
0x80: {  	v21 =	vsel vm10, v33, v22;
	vm10 =	vmand vm12, vm11;
	vm9 =	vmor vm9, vm12  }
0x81: {  	vm11 =	vmneg vm9;
	v20 =	vadd.f32 v20, v0;
	vm12 =	vge.f32 v0, $2.000000000e+01  }
0x82: {  	v0 =	vsel vm10, v34, v21;
	vm10 =	vmand vm12, vm11;
	vm9 =	vmor vm9, vm12  }
0x83: {  	vm11 =	vmneg vm9;
	vm12 =	vge.f32 v20, $2.000000000e+01;
	v18 =	vadd.f32 v18, v20  }
0x84: {  	v0 =	vsel vm10, v35, v0;
	vm9 =	vmor vm9, vm12;
	vm10 =	vmand vm12, vm11  }
0x85: {  	vm11 =	vge.f32 v18, $2.000000000e+01;
	vm12 =	vmneg vm9;
	v5 =	vadd.f32 v5, v18  }
0x86: {  	v0 =	vsel vm10, v40, v0;
	vm10 =	vmand vm11, vm12;
	vm9 =	vmor vm9, vm11  }
0x87: {  	v17 =	vld.idx.msk [tilespmem:v17+s10+$0x0], $0xffff;
	vm11 =	vmneg vm9;
	vm12 =	vge.f32 v5, $2.000000000e+01;
	v4 =	vadd.f32 v4, v5  }
0x88: {  	v0 =	vsel vm10, v45, v0;
	vm10 =	vmand vm12, vm11;
	vm9 =	vmor vm9, vm12  }
0x89: {  	v1 =	vadd.f32 v1, v4;
	vm11 =	vge.f32 v4, $2.000000000e+01;
	vm12 =	vmneg vm9  }
0x8a: {  	v0 =	vsel vm10, v43, v0;
	vm10 =	vmand vm11, vm12;
	vm9 =	vmor vm9, vm11  }
0x8b: {  	v3 =	vadd.f32 v3, v1;
	vm11 =	vmneg vm9;
	vm12 =	vge.f32 v1, $2.000000000e+01  }
0x8c: {  	v1 =	vsel vm14, $0x0, v17;
	v0 =	vsel vm10, v44, v0;
	vm10 =	vmand vm12, vm11  }
0x8d: {  	s6 =	ssub.f32 $1.000000000e+00, s16;
	vm9 =	vmor vm9, vm12;
	vm11 =	vge.f32 v3, $2.000000000e+01;
	v1 =	vadd.f32 v1, v3  }
0x8e: {  	[tilespmem:$0x1FE30] =	vst v36;
	s8 =	ssub.f32 $1.000000000e+00, s15;
	v0 =	vsel vm10, v36, v0;
	vm10 =	vmneg vm9;
	vm9 =	vmor vm9, vm11  }
0x8f: {  	[tilespmem:$0x1FE40] =	vst v29;
	s7 =	ssub.f32 $1.000000000e+00, s14;
	vm10 =	vmand vm11, vm10;
	vm12 =	vge.f32 v1, $2.000000000e+01;
	vm11 =	vmneg vm9  }
0x90: {  	s12 =	ssub.f32 $1.000000000e+00, s12;
	[tilespmem:$0x1FE50] =	vst v25;
	v4 =	vmov s8;
	v0 =	vsel vm10, v29, v0;
	vm10 =	vmand vm12, vm11  }
0x91: {  	s0 =	ssub.f32 $1.000000000e+00, s0;
	[tilespmem:$0x1FEA0] =	vst v24;
	v3 =	vmov s7;
	v1 =	vmov s6;
	v18 =	vsel vm10, v25, v0  }
0x92: {  	s1 =	ssub.f32 $1.000000000e+00, s1;
	[tilespmem:$0x1FE60] =	vst v4;
	v0 =	vmov s12;
	v4 =	vadd.f32 v18, v4;
	v20 =	vadd.f32 v18, v1  }
0x93: {  	s14 =	ssub.f32 $1.000000000e+00, s31;
	[tilespmem:$0x1FE70] =	vst v1;
	v1 =	vmov s0;
	v21 =	vadd.f32 v18, v3;
	v25 =	vadd.f32 v18, v0  }
0x94: {  	s15 =	ssub.f32 $1.000000000e+00, s2;
	[tilespmem:$0x1FE90] =	vst v0;
	v0 =	vmov s1;
	v51 =	vadd.f32 v18, v24;
	v24 =	vadd.f32 v18, v28  }
0x95: {  	[tilespmem:$0x1FE80] =	vst v3;
	v3 =	vmov s14;
	v41 =	vadd.f32 v18, v26;
	v42 =	vadd.f32 v18, v27  }
0x96: {  	v37 =	vadd.f32 v18, v1;
	[tilespmem:$0x1FED0] =	vst v0;
	v36 =	vadd.f32 v18, v0;
	v0 =	vmov s15  }
0x97: {  	[tilespmem:$0x1FEC0] =	vst v1;
	v39 =	vadd.f32 v18, v3;
	v38 =	vadd.f32 v18, v0  }
0x98: {  	[tilespmem:$0x1FF10] =	vst v0;
	v0 =	vadd.f32 $3.000000000e+00, v20;
	v1 =	vadd.f32 $3.000000000e+00, v4  }
0x99: {  	[tilespmem:$0x1FF00] =	vst v3;
	v3 =	vadd.f32 $3.000000000e+00, v21;
	v5 =	vadd.f32 $3.000000000e+00, v25  }
0x9a: {  	[tilespmem:$0x1FEE0] =	vst v26;
	v22 =	vadd.f32 $3.000000000e+00, v51;
	v23 =	vadd.f32 $3.000000000e+00, v24  }
0x9b: {  	[tilespmem:$0x1FEF0] =	vst v27;
	v26 =	vadd.f32 $3.000000000e+00, v41;
	v27 =	vadd.f32 $3.000000000e+00, v42  }
0x9c: {  	[tilespmem:$0x1FEB0] =	vst v28;
	v28 =	vadd.f32 $3.000000000e+00, v39;
	v22 =	vclamp.gez.f32 v22, v15;
	v29 =	vadd.f32 $3.000000000e+00, v38  }
0x9d: {  	v50 =	vadd.f32 $3.000000000e+00, v37;
	v26 =	vclamp.gez.f32 v26, v10;
	v27 =	vclamp.gez.f32 v27, v12  }
0x9e: {  	v52 =	vadd.f32 $3.000000000e+00, v36;
	v28 =	vclamp.gez.f32 v28, v19;
	v29 =	vclamp.gez.f32 v29, v16  }
0x9f: {  	v23 =	vclamp.gez.f32 v23, v13;
	v26 =	vadd.f32 v28, v26;
	v27 =	vadd.f32 v29, v27  }
0xa0: {  	v22 =	vadd.f32 v23, v22;
	v23 =	vclamp.gez.f32 v50, v14;
	v28 =	vclamp.gez.f32 v52, v11  }
0xa1: {  	v0 =	vclamp.gez.f32 v0, v9;
	v23 =	vadd.f32 v26, v23;
	v26 =	vadd.f32 v27, v28  }
0xa2: {  	v3 =	vclamp.gez.f32 v3, v8;
	v5 =	vclamp.gez.f32 v5, v6;
	v0 =	vadd.f32 v22, v0  }
0xa3: {  	v3 =	vadd.f32 v23, v3;
	v5 =	vadd.f32 v26, v5  }
0xa4: {  	v1 =	vclamp.gez.f32 v1, v17  }
0xa5: {  	v0 =	vadd.f32 v0, v1;
	v1 =	vadd.f32 v5, v3;
	_ =	sdelay $0x1  }
0xa6: {  	v0 =	vadd.f32 v1, v0;
	_ =	sdelay $0x1  }
0xa7: {  	vm10 =	vge.f32 v0, $2.000000000e+01;
	v0 =	vimm.s32 $0x5  }
0xa8: {  	v0 =	vsel vm10, $0x1, v0  }
0xa9: {  	v1 =	vcvt.s32.f32 v0;
	_ =	sdelay $0x1  }
0xaa: {  	v3 =	vadd.f32 v1, v20;
	v5 =	vadd.f32 v1, v4  }
0xab: {  	s16 =	sadd.s32 $0xC0, s18;
	v23 =	vadd.f32 v1, v21;
	v26 =	vadd.f32 v1, v41  }
0xac: {  	s1 =	sadd.s32 $0xC0, s19;
	v22 =	vadd.s32 s16, v2;
	v28 =	vadd.f32 v1, v42;
	v29 =	vadd.f32 v1, v39  }
0xad: {  	v27 =	vadd.s32 s1, v2;
	v60 =	vadd.f32 v1, v51;
	v61 =	vadd.f32 v1, v38  }
0xae: {  	v53 =	vadd.f32 v1, v24;
	v54 =	vadd.f32 v1, v37;
	v26 =	vclamp.gez.f32 v26, v10  }
0xaf: {  	v62 =	vadd.f32 v1, v36;
	v28 =	vclamp.gez.f32 v28, v12;
	v29 =	vclamp.gez.f32 v29, v19  }
0xb0: {  	v1 =	vadd.f32 v1, v25;
	v52 =	vclamp.gez.f32 v61, v16;
	v50 =	vclamp.gez.f32 v60, v15  }
0xb1: {  	v53 =	vclamp.gez.f32 v53, v13;
	v26 =	vadd.f32 v29, v26;
	v28 =	vadd.f32 v52, v28  }
0xb2: {  	v63 =	vclamp.gez.f32 v54, v14;
	v50 =	vadd.f32 v53, v50;
	v52 =	vclamp.gez.f32 v62, v11  }
0xb3: {  	v3 =	vclamp.gez.f32 v3, v9;
	v26 =	vadd.f32 v26, v63;
	v28 =	vadd.f32 v28, v52  }
0xb4: {  	v54 =	vld.idx.msk [tilespmem:v22+s10+$0x0], $0xffff;
	v22 =	vclamp.gez.f32 v23, v8;
	v1 =	vclamp.gez.f32 v1, v6;
	v3 =	vadd.f32 v50, v3  }
0xb5: {  	v22 =	vadd.f32 v26, v22;
	v1 =	vadd.f32 v28, v1  }
0xb6: {  	s2 =	sadd.s32 $0xC0, s20;
	v5 =	vclamp.gez.f32 v5, v17  }
0xb7: {  	s7 =	sadd.s32 $0xC0, s24;
	v29 =	vadd.s32 s2, v2;
	v3 =	vadd.f32 v3, v5;
	v1 =	vadd.f32 v1, v22  }
0xb8: {  	s4 =	sadd.s32 $0xC0, s21;
	[tilespmem:$0x1FE20] =	vst v7;
	v7 =	vimm.s32 $0x7;
	v57 =	vadd.s32 s7, v2;
	vm9 =	vmmov vm9  }
0xb9: {  	s5 =	sadd.s32 $0xC0, s22;
	v55 =	vld.idx.msk [tilespmem:v27+s10+$0x0], $0xffff;
	v5 =	vadd.s32 s4, v2;
	v1 =	vadd.f32 v1, v3;
	v3 =	vimm.s32 $0x0  }
0xba: {  	v23 =	vadd.s32 s5, v2;
	v53 =	vimm.f32 $+Inf;
	v3 =	vsel vm13, $0xFFFFFFFF, v3  }
0xbb: {  	v50 =	vsel vm13, $0x0, v54;
	v22 =	vsel vm10, $0x3, v7;
	[tilespmem:$0x1FF20] =	vst v3;
	v3 =	vimm.s32 $0x0  }
0xbc: {  	v61 =	vld.idx.msk [tilespmem:v29+s10+$0x0], $0xffff;
	vm11 =	vge.f32 v1, $2.000000000e+01;
	v1 =	vimm.s32 $0x4;
	v3 =	vsel vm8, $0xFFFFFFFF, v3  }
0xbd: {  	v1 =	vsel vm10, $0x0, v1;
	v22 =	vsel vm11, v0, v22;
	v0 =	vadd.s32 $0x1, v0  }
0xbe: {  	v7 =	vor.u32 s9, v30;
	v56 =	vld.idx.msk [tilespmem:v5+s10+$0x0], $0xffff;
	[tilespmem:$0x1FF30] =	vst v3;
	v3 =	vsel vm8, $0x0, v55;
	v5 =	vsel vm11, v1, v0  }
0xbf: {  	v0 =	vadd.s32 $0xFFFFFFFF, v22;
	v1 =	vimm.s32 $0x0;
	vm11 =	vge.f32 v50, $2.000000000e+01  }
0xc0: {  	v3 =	vadd.f32 v3, v50;
	v1 =	vsel vm15, $0xFFFFFFFF, v1;
	v0 =	vadd.s32 v0, v5  }
0xc1: {  	vm8 =	vmmov vm7;
	[tilespmem:$0x1FF40] =	vst v1;
	v1 =	vsel vm15, $0x0, v61;
	v22 =	vshrl.u32 v0, $0x1  }
0xc2: {  	vm10 =	vge.f32 v3, $2.000000000e+01;
	v1 =	vadd.f32 v1, v3;
	v3 =	vcvt.s32.f32 v22  }
0xc3: {  	v26 =	vsel vm7, $0x0, v56;
	vm7 =	vmmov vm6;
	v0 =	vnsel vm10, $0x7F800000, v32  }
0xc4: {  	vm10 =	vmor vm11, vm10;
	v0 =	vsel vm11, v31, v0;
	v27 =	vadd.f32 v3, v41  }
0xc5: {  	vm11 =	vge.f32 v1, $2.000000000e+01;
	v1 =	vadd.f32 v26, v1;
	v26 =	vadd.f32 v3, v39  }
0xc6: {  	v58 =	vld.idx.msk [tilespmem:v23+s10+$0x0], $0xffff;
	v22 =	vadd.s32 $0x1, v22;
	v23 =	vadd.f32 v3, v42;
	v28 =	vadd.f32 v3, v38  }
0xc7: {  	[tilespmem:$0x1FF50] =	vst v32;
	vm13 =	vmneg vm10;
	v29 =	vadd.f32 v3, v51;
	v32 =	vadd.f32 v3, v24  }
0xc8: {  	v59 =	vadd.f32 v3, v20;
	v48 =	vadd.f32 v3, v25;
	vm13 =	vmand vm11, vm13  }
0xc9: {  	vm10 =	vmor vm10, vm11;
	v27 =	vclamp.gez.f32 v27, v10;
	v26 =	vclamp.gez.f32 v26, v19  }
0xca: {  	v23 =	vclamp.gez.f32 v23, v12;
	v46 =	vsel vm13, v33, v0;
	vm11 =	vmneg vm10  }
0xcb: {  	v26 =	vadd.f32 v26, v27;
	v27 =	vclamp.gez.f32 v28, v16;
	v28 =	vclamp.gez.f32 v32, v13  }
0xcc: {  	s6 =	sadd.s32 $0xC0, s23;
	v23 =	vadd.f32 v27, v23;
	v27 =	vclamp.gez.f32 v29, v15;
	v29 =	vadd.f32 v3, v37  }
0xcd: {  	v0 =	vsel vm6, $0x0, v58;
	v27 =	vadd.f32 v28, v27;
	v28 =	vadd.s32 s6, v2  }
0xce: {  	v47 =	vadd.f32 v0, v1;
	v0 =	vclamp.gez.f32 v29, v14;
	v29 =	vadd.f32 v3, v36  }
0xcf: {  	vm13 =	vge.f32 v1, $2.000000000e+01;
	vm6 =	vmmov vm5;
	v1 =	vadd.f32 v26, v0  }
0xd0: {  	v26 =	vclamp.gez.f32 v29, v11;
	v29 =	vadd.f32 v3, v21;
	v3 =	vadd.f32 v3, v4  }
0xd1: {  	vm11 =	vmand vm13, vm11;
	vm10 =	vmor vm10, vm13;
	vm13 =	vge.f32 v47, $2.000000000e+01  }
0xd2: {  	s15 =	sadd.s32 $0xC0, s29;
	v23 =	vadd.f32 v23, v26;
	v0 =	vld.idx.msk [tilespmem:v28+s10+$0x0], $0xffff;
	v28 =	vclamp.gez.f32 v59, v9;
	v3 =	vclamp.gez.f32 v3, v17  }
0xd3: {  	s8 =	sadd.s32 $0xC0, s25;
	v59 =	vld.idx.msk [tilespmem:v57+s10+$0x0], $0xffff;
	v57 =	vadd.s32 s15, v2;
	v26 =	vadd.f32 v27, v28;
	v27 =	vclamp.gez.f32 v29, v8  }
0xd4: {  	v28 =	vclamp.gez.f32 v48, v6;
	v29 =	vadd.s32 s8, v2;
	v1 =	vadd.f32 v1, v27  }
0xd5: {  	s12 =	sadd.s32 $0xC0, s26;
	v23 =	vadd.f32 v23, v28;
	v27 =	vsel vm11, v34, v46;
	vm11 =	vmneg vm10  }
0xd6: {  	v28 =	vadd.s32 s12, v2;
	vm10 =	vmor vm10, vm13;
	vm11 =	vmand vm13, vm11  }
0xd7: {  	s14 =	sadd.s32 $0xC0, s28;
	v26 =	vadd.f32 v26, v3;
	v1 =	vadd.f32 v23, v1;
	v49 =	vsel vm5, $0x0, v0  }
0xd8: {  	v23 =	vadd.s32 s14, v2;
	v27 =	vsel vm11, v35, v27;
	v52 =	vadd.f32 v49, v47  }
0xd9: {  	vm11 =	vmneg vm10;
	vm5 =	vmmov vm4;
	v3 =	vld.idx.msk [tilespmem:v29+s10+$0x0], $0xffff;
	v29 =	vsel vm4, $0x0, v59  }
0xda: {  	v26 =	vadd.f32 v1, v26;
	v29 =	vadd.f32 v29, v52;
	vm13 =	vge.f32 v52, $2.000000000e+01  }
0xdb: {  	vm4 =	vmmov vm3;
	v1 =	vld.idx.msk [tilespmem:v28+s10+$0x0], $0xffff;
	vm10 =	vmor vm10, vm13;
	vm11 =	vmand vm13, vm11  }
0xdc: {  	v27 =	vsel vm11, v40, v27;
	vm11 =	vge.f32 v29, $2.000000000e+01;
	vm13 =	vmneg vm10  }
0xdd: {  	s16 =	sadd.s32 $0xC0, s30;
	v52 =	vimm.f32 $-Inf;
	v63 =	vld.idx.msk [tilespmem:v23+s10+$0x0], $0xffff;
	vm13 =	vmand vm11, vm13;
	vm10 =	vmor vm10, vm11  }
0xde: {  	v23 =	vsel vm3, $0x0, v3;
	vm11 =	vge.f32 v26, $2.000000000e+01;
	v26 =	vadd.s32 s16, v2  }
0xdf: {  	vm3 =	vmmov vm2;
	v23 =	vadd.f32 v23, v29;
	v5 =	vsel vm11, v5, v22  }
0xe0: {  	v62 =	vld.idx.msk [tilespmem:v57+s10+$0x0], $0xffff;
	v22 =	vsel vm13, v45, v27;
	vm11 =	vmneg vm10;
	v27 =	vsel vm2, $0x0, v1  }
0xe1: {  	vm2 =	vmmov vm1;
	vm13 =	vge.f32 v23, $2.000000000e+01;
	v23 =	vadd.f32 v27, v23  }
0xe2: {  	[tilespmem:$0x1FF60] =	vst v31;
	v27 =	vsel vm1, $0x0, v63;
	vm1 =	vmmov vm0;
	vm11 =	vmand vm13, vm11  }
0xe3: {  	[tilespmem:$0x1FF70] =	vst v33;
	vm10 =	vmor vm10, vm13;
	v22 =	vsel vm11, v43, v22;
	vm11 =	vlt.u32 v5, $0x7  }
0xe4: {  	[tilespmem:$0x1FF80] =	vst v34;
	v27 =	vadd.f32 v27, v23;
	vm13 =	vmneg vm10;
	v5 =	vnsel vm11, $0x0, v5  }
0xe5: {  	[tilespmem:$0x1FF90] =	vst v35;
	v60 =	vld.idx.msk [tilespmem:v26+s10+$0x0], $0xffff;
	vm11 =	vge.f32 v23, $2.000000000e+01;
	v23 =	vsel vm0, $0x0, v62;
	v5 =	vcvt.s32.f32 v5  }
0xe6: {  	[tilespmem:$0x1FFA0] =	vst v40;
	vm0 =	vmmov vm14;
	vm13 =	vmand vm11, vm13;
	vm10 =	vmor vm10, vm11  }
0xe7: {  	[tilespmem:$0x1FFB0] =	vst v45;
	v28 =	vadd.f32 v23, v27;
	vm11 =	vge.f32 v27, $2.000000000e+01;
	v26 =	vadd.f32 v5, v20  }
0xe8: {  	[tilespmem:$0x1FFC0] =	vst v43;
	v29 =	vsel vm13, v44, v22;
	v4 =	vadd.f32 v5, v4;
	v22 =	vadd.f32 v5, v21  }
0xe9: {  	[tilespmem:$0x1FFD0] =	vst v44;
	vm13 =	vmneg vm10;
	v23 =	vadd.f32 v5, v25;
	v27 =	vadd.f32 v5, v51  }
0xea: {  	s31 =	smov.u32 s9;
	s2 =	simm.s32 $0x180;
	[tilespmem:$0x1FFE0] =	vst v7;
	v24 =	vadd.f32 v5, v24;
	v51 =	vimm.s32 $0x0;
	v25 =	vsel vm14, $0x0, v60  }
.LBB2_2:
0xeb: {  	v20 =	vadd.f32 v5, v41;
	v21 =	vadd.f32 v5, v42  }
0xec: {  	v39 =	vadd.f32 v5, v39;
	v38 =	vadd.f32 v5, v38;
	v27 =	vclamp.gez.f32 v27, v15  }
0xed: {  	v37 =	vadd.f32 v5, v37;
	v20 =	vclamp.gez.f32 v20, v10;
	v21 =	vclamp.gez.f32 v21, v12  }
0xee: {  	v36 =	vadd.f32 v5, v36;
	v19 =	vclamp.gez.f32 v39, v19;
	v16 =	vclamp.gez.f32 v38, v16  }
0xef: {  	v19 =	vadd.f32 v19, v20;
	v16 =	vadd.f32 v16, v21;
	v20 =	vclamp.gez.f32 v24, v13  }
0xf0: {  	v14 =	vclamp.gez.f32 v37, v14;
	v13 =	vmovc v0;
	v0 =	vadd.f32 v20, v27;
	v20 =	vclamp.gez.f32 v36, v11  }
0xf1: {  	v7 =	vclamp.gez.f32 v23, v6;
	v11 =	vmovc v3;
	v3 =	vadd.f32 v19, v14;
	v19 =	vadd.f32 v16, v20  }
0xf2: {  	v16 =	vclamp.gez.f32 v26, v9;
	v9 =	vmov v1;
	v1 =	vclamp.gez.f32 v22, v8  }
0xf3: {  	v1 =	vadd.f32 v3, v1;
	v3 =	vadd.f32 v19, v7;
	_ =	sdelay $0x1  }
0xf4: {  	v1 =	vadd.f32 v3, v1;
	v3 =	vadd.f32 v25, v28  }
0xf5: {  	v0 =	vadd.f32 v0, v16  }
0xf6: {  	vm9 =	vmor vm9, vm12;
	v4 =	vclamp.gez.f32 v4, v17;
	vm12 =	vge.f32 v3, $2.000000000e+01;
	v3 =	vld [tilespmem:$0x1FE20]  }
0xf7: {  	v0 =	vadd.f32 v0, v4  }
0xf8: {  	v7 =	vld [tilespmem:$0x1FE30]  }
0xf9: {  	v0 =	vadd.f32 v1, v0  }
0xfa: {  	v4 =	vld [tilespmem:$0x1FE40]  }
0xfb: {  	v0 =	vsel vm9, v0, v3;
	v3 =	vmov v50  }
0xfc: {  	vm13 =	vmand vm11, vm13;
	vm10 =	vmor vm10, vm11;
	[tilespmem:$0x1FE20] =	vst v3;
	v3 =	vld [tilespmem:$0x1FE50]  }
0xfd: {  	vm11 =	vmneg vm10;
	v20 =	vsel vm13, v7, v29;
	vm13 =	vge.f32 v28, $2.000000000e+01  }
0xfe: {  	v1 =	vadd.f32 v5, v18;
	vm11 =	vmand vm13, vm11;
	vm10 =	vmor vm10, vm13  }
0xff: {  	v4 =	vsel vm11, v4, v20;
	vm11 =	vmneg vm10  }
0x100: {  	v1 =	vnsel vm9, $0x7F800000, v1;
	vm11 =	vmand vm12, vm11  }
0x101: {  	vm9 =	veq.f32 v1, v53;
	v18 =	vsel vm11, v3, v4;
	vm11 =	vgt.f32 v0, v52  }
0x102: {  	vm13 =	vlt.f32 v1, v53;
	vm9 =	vmand vm9, vm11  }
0x103: {  	vm9 =	vmor vm13, vm9  }
0x104: {  	v52 =	vsel vm9, v0, v52;
	v0 =	vld [tilespmem:$0x1FEA0];
	_ =	sdelay $0x1  }
0x105: {  	v53 =	vsel vm13, v1, v53;
	v1 =	vld [tilespmem:$0x1FE80]  }
0x106: {  	v3 =	vld [tilespmem:$0x1FE60];
	_ =	sdelay $0x1  }
0x107: {  	v20 =	vadd.f32 v18, v0;
	v0 =	vld [tilespmem:$0x1FEB0];
	_ =	sdelay $0x1  }
0x108: {  	v23 =	vadd.f32 v18, v1;
	v1 =	vld [tilespmem:$0x1FE90]  }
0x109: {  	v4 =	vadd.f32 v18, v3;
	v3 =	vld [tilespmem:$0x1FE70];
	_ =	sdelay $0x1  }
0x10a: {  	v21 =	vadd.f32 v18, v0;
	v0 =	vld [tilespmem:$0x1FFE0];
	_ =	sdelay $0x1  }
0x10b: {  	v24 =	vadd.f32 v18, v1;
	v1 =	vld [tilespmem:$0x1FEE0]  }
0x10c: {  	v22 =	vadd.f32 v18, v3;
	v3 =	vld [tilespmem:$0x1FF00];
	_ =	sdelay $0x1  }
0x10d: {  	v51 =	vsel vm9, v0, v51;
	v0 =	vld [tilespmem:$0x1FEC0];
	_ =	sdelay $0x1  }
0x10e: {  	v41 =	vadd.f32 v18, v1;
	v1 =	vld [tilespmem:$0x1FEF0]  }
0x10f: {  	v39 =	vadd.f32 v18, v3;
	v3 =	vld [tilespmem:$0x1FF10]  }
0x110: {  	v27 =	vadd.f32 $3.000000000e+00, v23;
	v25 =	vadd.f32 $3.000000000e+00, v4  }
0x111: {  	v28 =	vadd.f32 $3.000000000e+00, v24;
	v37 =	vadd.f32 v18, v0;
	v0 =	vld [tilespmem:$0x1FED0]  }
0x112: {  	v46 =	vadd.f32 $3.000000000e+00, v20;
	v5 =	vadd.f32 $3.000000000e+00, v22  }
0x113: {  	v15 =	vmov v61;
	v33 =	vadd.f32 $3.000000000e+00, v41;
	v42 =	vadd.f32 v18, v1  }
0x114: {  	v10 =	vmovc v54;
	v50 =	vclamp.gez.f32 v46, v15;
	v47 =	vadd.f32 $3.000000000e+00, v21;
	v38 =	vadd.f32 v18, v3  }
0x115: {  	s1 =	sadd.s32 s2, s29;
	v19 =	vmovc v56;
	v56 =	vclamp.gez.f32 v33, v10;
	v34 =	vadd.f32 $3.000000000e+00, v39;
	v57 =	vadd.f32 $3.000000000e+00, v42  }
0x116: {  	s0 =	sadd.s32 s2, s30;
	v12 =	vmovc v55;
	v1 =	vadd.s32 s1, v2;
	v35 =	vadd.f32 $3.000000000e+00, v38;
	v36 =	vadd.f32 v18, v0  }
0x117: {  	v16 =	vmovc v58;
	v58 =	vclamp.gez.f32 v34, v19;
	v57 =	vclamp.gez.f32 v57, v12;
	v0 =	vadd.s32 s0, v2  }
0x118: {  	v14 =	vmovc v59;
	v59 =	vclamp.gez.f32 v35, v16;
	v40 =	vadd.f32 $3.000000000e+00, v37;
	v43 =	vadd.f32 $3.000000000e+00, v36  }
0x119: {  	v6 =	vmovc v62;
	v54 =	vclamp.gez.f32 v47, v13;
	v56 =	vadd.f32 v58, v56;
	v57 =	vadd.f32 v59, v57  }
0x11a: {  	v17 =	vmovc v60;
	v50 =	vadd.f32 v54, v50;
	v44 =	vclamp.gez.f32 v40, v14;
	v45 =	vclamp.gez.f32 v43, v11  }
0x11b: {  	v8 =	vmovc v63;
	v5 =	vclamp.gez.f32 v5, v9;
	v54 =	vadd.f32 v56, v44;
	v46 =	vadd.f32 v57, v45  }
0x11c: {  	v60 =	vld.idx.msk [tilespmem:v0+s10+$0x0], $0xffff;
	v0 =	vadd.f32 v50, v5;
	v5 =	vclamp.gez.f32 v27, v8;
	v27 =	vclamp.gez.f32 v28, v6  }
0x11d: {  	v62 =	vld.idx.msk [tilespmem:v1+s10+$0x0], $0xffff;
	v1 =	vadd.f32 v54, v5;
	v5 =	vadd.f32 v46, v27  }
0x11e: {  	v25 =	vclamp.gez.f32 v25, v17  }
0x11f: {  	v0 =	vadd.f32 v0, v25;
	v5 =	vadd.f32 v5, v1  }
0x120: {  	s5 =	sadd.s32 s2, s26  }
0x121: {  	s31 =	sadd.s32 $0x10, s31;
	v26 =	vadd.s32 s5, v2;
	v0 =	vadd.f32 v5, v0;
	v5 =	vlaneseq.u32  }
0x122: {  	v5 =	vor.u32 s31, v5  }
0x123: {  	s6 =	sadd.s32 s2, s18;
	vm9 =	vmmov vm10;
	[tilespmem:$0x1FFE0] =	vst v5;
	vm10 =	vge.f32 v0, $2.000000000e+01;
	v5 =	vimm.s32 $0x5  }
0x124: {  	s7 =	sadd.s32 s2, s19;
	v29 =	vadd.s32 s6, v2;
	v30 =	vsel vm10, $0x1, v5  }
0x125: {  	s4 =	sadd.s32 s2, s28;
	s12 =	sadd.s32 s2, s24;
	s16 =	sadd.s32 s2, s22;
	v32 =	vadd.s32 s7, v2;
	v31 =	vcvt.s32.f32 v30  }
0x126: {  	v3 =	vadd.s32 s4, v2;
	s4 =	sadd.s32 s2, s20;
	v58 =	vadd.s32 s16, v2;
	v27 =	vadd.s32 s12, v2;
	v1 =	vld.idx.msk [tilespmem:v26+s10+$0x0], $0xffff  }
0x127: {  	s15 =	sadd.s32 s2, s21;
	v61 =	vadd.s32 s4, v2;
	v33 =	vadd.f32 v31, v22;
	v34 =	vadd.f32 v31, v4  }
0x128: {  	s8 =	sadd.s32 s2, s25;
	v56 =	vadd.s32 s15, v2;
	v35 =	vadd.f32 v31, v23;
	v40 =	vadd.f32 v31, v24  }
0x129: {  	s14 =	sadd.s32 s2, s23;
	v28 =	vadd.s32 s8, v2;
	v54 =	vld.idx.msk [tilespmem:v29+s10+$0x0], $0xffff;
	v43 =	vadd.f32 v31, v20;
	v44 =	vadd.f32 v31, v21  }
0x12a: {  	v29 =	vadd.s32 s14, v2;
	v5 =	vld [tilespmem:$0x1FF20];
	v46 =	vadd.f32 v31, v41;
	v47 =	vadd.f32 v31, v42  }
0x12b: {  	v59 =	vld.idx.msk [tilespmem:v27+s10+$0x0], $0xffff;
	v27 =	vsel vm3, $0x0, v1;
	v48 =	vadd.f32 v31, v39;
	v49 =	vadd.f32 v31, v38  }
0x12c: {  	v7 =	vadd.f32 v31, v37;
	v46 =	vclamp.gez.f32 v46, v10;
	v47 =	vclamp.gez.f32 v47, v12  }
0x12d: {  	v55 =	vld.idx.msk [tilespmem:v32+s10+$0x0], $0xffff;
	v31 =	vadd.f32 v31, v36;
	v48 =	vclamp.gez.f32 v48, v19;
	v49 =	vclamp.gez.f32 v49, v16  }
0x12e: {  	v56 =	vld.idx.msk [tilespmem:v56+s10+$0x0], $0xffff;
	v43 =	vclamp.gez.f32 v43, v15;
	v46 =	vadd.f32 v48, v46;
	v47 =	vadd.f32 v49, v47  }
0x12f: {  	vm11 =	vnez.u8 v5;
	v5 =	vld [tilespmem:$0x1FF30];
	v7 =	vclamp.gez.f32 v7, v14;
	v31 =	vclamp.gez.f32 v31, v11  }
0x130: {  	v58 =	vld.idx.msk [tilespmem:v58+s10+$0x0], $0xffff;
	v44 =	vclamp.gez.f32 v44, v13;
	v7 =	vadd.f32 v46, v7;
	v31 =	vadd.f32 v47, v31  }
0x131: {  	v35 =	vclamp.gez.f32 v35, v8;
	v40 =	vclamp.gez.f32 v40, v6;
	v43 =	vadd.f32 v44, v43;
	v48 =	vld [tilespmem:$0x1FF40]  }
0x132: {  	v61 =	vld.idx.msk [tilespmem:v61+s10+$0x0], $0xffff;
	v33 =	vclamp.gez.f32 v33, v9;
	v7 =	vadd.f32 v7, v35;
	v31 =	vadd.f32 v31, v40  }
0x133: {  	v34 =	vclamp.gez.f32 v34, v17;
	v50 =	vsel vm11, $0x0, v54;
	v33 =	vadd.f32 v43, v33  }
0x134: {  	v49 =	vsel vm8, $0x0, v56;
	vm11 =	vnez.u8 v5;
	v7 =	vadd.f32 v31, v7;
	v31 =	vld [tilespmem:$0x1FF50]  }
0x135: {  	v44 =	vimm.s32 $0x7;
	v33 =	vadd.f32 v33, v34;
	v5 =	vsel vm11, $0x0, v55  }
0x136: {  	v57 =	vld [tilespmem:$0x1FF60];
	vm13 =	vge.f32 v50, $2.000000000e+01;
	vm11 =	vnez.u8 v48;
	v32 =	vadd.f32 v5, v50  }
0x137: {  	v47 =	vsel vm7, $0x0, v58;
	v35 =	vsel vm11, $0x0, v61;
	v7 =	vadd.f32 v7, v33  }
0x138: {  	vm11 =	vge.f32 v32, $2.000000000e+01;
	v32 =	vadd.f32 v35, v32;
	v33 =	vsel vm10, $0x3, v44  }
0x139: {  	vm15 =	vge.f32 v7, $2.000000000e+01;
	v7 =	vimm.s32 $0x4;
	v31 =	vnsel vm11, $0x7F800000, v31  }
0x13a: {  	vm11 =	vmor vm13, vm11;
	v7 =	vsel vm10, $0x0, v7;
	v33 =	vsel vm15, v30, v33  }
0x13b: {  	v0 =	vld.idx.msk [tilespmem:v29+s10+$0x0], $0xffff;
	v30 =	vadd.s32 $0x1, v30;
	v31 =	vsel vm13, v57, v31;
	vm13 =	vge.f32 v32, $2.000000000e+01  }
0x13c: {  	v63 =	vld.idx.msk [tilespmem:v3+s10+$0x0], $0xffff;
	vm14 =	vmneg vm11;
	v7 =	vsel vm15, v7, v30;
	v30 =	vadd.s32 $0xFFFFFFFF, v33  }
0x13d: {  	v3 =	vld.idx.msk [tilespmem:v28+s10+$0x0], $0xffff;
	v32 =	vadd.f32 v49, v32;
	vm10 =	vmor vm11, vm13;
	v30 =	vadd.s32 v30, v7  }
0x13e: {  	vm14 =	vmand vm13, vm14;
	vm11 =	vmneg vm10;
	v30 =	vshrl.u32 v30, $0x1  }
0x13f: {  	v46 =	vld [tilespmem:$0x1FF70];
	vm13 =	vge.f32 v32, $2.000000000e+01;
	v32 =	vadd.f32 v47, v32;
	v33 =	vcvt.s32.f32 v30  }
0x140: {  	v45 =	vsel vm6, $0x0, v0;
	v47 =	vld [tilespmem:$0x1FF80];
	vm11 =	vmand vm13, vm11;
	vm10 =	vmor vm10, vm13  }
0x141: {  	v34 =	vadd.f32 v45, v32;
	vm13 =	vge.f32 v32, $2.000000000e+01;
	v32 =	vadd.f32 v33, v22  }
0x142: {  	v28 =	vsel vm4, $0x0, v3;
	v49 =	vld [tilespmem:$0x1FF90];
	v35 =	vadd.f32 v33, v4;
	v40 =	vadd.f32 v33, v23  }
0x143: {  	v29 =	vsel vm5, $0x0, v59;
	v43 =	vadd.f32 v33, v24;
	v48 =	vadd.f32 v33, v20  }
0x144: {  	v31 =	vsel vm14, v46, v31;
	v45 =	vadd.f32 v33, v21;
	v46 =	vadd.f32 v33, v41  }
0x145: {  	v57 =	vadd.f32 v33, v42;
	v31 =	vsel vm11, v47, v31;
	vm11 =	vmneg vm10  }
0x146: {  	v29 =	vadd.f32 v29, v34;
	v44 =	vclamp.gez.f32 v48, v15;
	vm11 =	vmand vm13, vm11  }
0x147: {  	v48 =	vadd.f32 v33, v39;
	v31 =	vsel vm11, v49, v31;
	v49 =	vadd.f32 v33, v38  }
0x148: {  	v46 =	vclamp.gez.f32 v46, v10;
	v47 =	vclamp.gez.f32 v57, v12;
	v57 =	vadd.f32 v33, v37  }
0x149: {  	v48 =	vclamp.gez.f32 v48, v19;
	v33 =	vadd.f32 v33, v36;
	v49 =	vclamp.gez.f32 v49, v16  }
0x14a: {  	v45 =	vclamp.gez.f32 v45, v13;
	v46 =	vadd.f32 v48, v46;
	v47 =	vadd.f32 v49, v47  }
0x14b: {  	v44 =	vadd.f32 v45, v44;
	v57 =	vclamp.gez.f32 v57, v14;
	v33 =	vclamp.gez.f32 v33, v11  }
0x14c: {  	v32 =	vclamp.gez.f32 v32, v9;
	v45 =	vadd.f32 v46, v57;
	v33 =	vadd.f32 v47, v33  }
0x14d: {  	v40 =	vclamp.gez.f32 v40, v8;
	v43 =	vclamp.gez.f32 v43, v6;
	v32 =	vadd.f32 v44, v32  }
0x14e: {  	vm10 =	vmor vm10, vm13;
	v49 =	vld [tilespmem:$0x1FFA0];
	v40 =	vadd.f32 v45, v40;
	v33 =	vadd.f32 v33, v43  }
0x14f: {  	vm13 =	vge.f32 v34, $2.000000000e+01;
	v28 =	vadd.f32 v28, v29;
	v48 =	vclamp.gez.f32 v35, v17  }
0x150: {  	vm11 =	vmneg vm10;
	v32 =	vadd.f32 v32, v48;
	v33 =	vadd.f32 v33, v40  }
0x151: {  	vm10 =	vmor vm10, vm13;
	vm11 =	vmand vm13, vm11;
	vm13 =	vge.f32 v29, $2.000000000e+01  }
0x152: {  	vm14 =	vmneg vm10;
	v29 =	vadd.s32 $0x1, v30;
	v57 =	vld [tilespmem:$0x1FFB0];
	v32 =	vadd.f32 v33, v32  }
0x153: {  	v27 =	vadd.f32 v27, v28;
	vm10 =	vmor vm10, vm13;
	v31 =	vsel vm11, v49, v31  }
0x154: {  	vm11 =	vmand vm13, vm14;
	vm14 =	vge.f32 v28, $2.000000000e+01;
	v28 =	vld [tilespmem:$0x1FFC0];
	vm13 =	vge.f32 v32, $2.000000000e+01  }
0x155: {  	v26 =	vsel vm1, $0x0, v62;
	v5 =	vsel vm2, $0x0, v63;
	v7 =	vsel vm13, v7, v29  }
0x156: {  	v25 =	vsel vm0, $0x0, v60;
	v30 =	vadd.f32 v5, v27;
	vm13 =	vlt.u32 v7, $0x7  }
0x157: {  	v31 =	vsel vm11, v57, v31;
	vm11 =	vmneg vm10;
	v5 =	vnsel vm13, $0x0, v7  }
0x158: {  	p0 =	sne.s32 s2, $0x16E00;
	vm10 =	vmor vm10, vm14;
	vm11 =	vmand vm14, vm11;
	v7 =	vld [tilespmem:$0x1FFD0];
	v5 =	vcvt.s32.f32 v5  }
.Ltmp0:
0x159: {  	v29 =	vsel vm11, v28, v31;
	vm11 =	vge.f32 v27, $2.000000000e+01;
	v28 =	vadd.f32 v26, v30;
	(pc) =	sbr.rel @p0 .LBB2_2-.Ltmp0, $4  }
0x15a: {  	vm13 =	vmneg vm10;
	vm10 =	vmor vm10, vm11;
	v26 =	vadd.f32 v5, v22  }
0x15b: {  	vm13 =	vmand vm11, vm13;
	v4 =	vadd.f32 v5, v4;
	v22 =	vadd.f32 v5, v23  }
0x15c: {  	vm11 =	vge.f32 v30, $2.000000000e+01;
	v23 =	vadd.f32 v5, v24;
	v27 =	vadd.f32 v5, v20  }
0x15d: {  	s2 =	sadd.s32 $0xC0, s2;
	v24 =	vadd.f32 v5, v21;
	v29 =	vsel vm13, v7, v29;
	vm13 =	vmneg vm10  }
0x15e: {  	v20 =	vld [tilespmem:$0x1FE30]  }
0x15f: {  	v30 =	vld [tilespmem:$0x1FE40]  }
0x160: {  	v31 =	vld [tilespmem:$0x1FE50]  }
0x161: {  	v32 =	vld [tilespmem:$0x1FE60]  }
0x162: {  	v33 =	vld [tilespmem:$0x1FE70]  }
0x163: {  	v34 =	vld [tilespmem:$0x1FE80]  }
0x164: {  	v35 =	vld [tilespmem:$0x1FE90]  }
0x165: {  	vm1 =	vmor vm10, vm11;
	v40 =	vld [tilespmem:$0x1FEA0]  }
0x166: {  	vm2 =	vge.f32 v28, $2.000000000e+01;
	v7 =	vadd.f32 v25, v28;
	v43 =	vld [tilespmem:$0x1FEB0];
	vm14 =	vmneg vm1  }
0x167: {  	vm0 =	vmand vm11, vm13;
	v44 =	vld [tilespmem:$0x1FEC0];
	vm1 =	vmor vm1, vm2;
	vm2 =	vmand vm2, vm14  }
0x168: {  	v45 =	vld [tilespmem:$0x1FED0];
	vm15 =	vge.f32 v7, $2.000000000e+01;
	vm3 =	vmneg vm1;
	v20 =	vsel vm0, v20, v29  }
0x169: {  	v46 =	vld [tilespmem:$0x1FEE0];
	vm7 =	vmand vm15, vm3;
	v7 =	vsel vm2, v30, v20  }
0x16a: {  	v47 =	vld [tilespmem:$0x1FEF0];
	v20 =	vsel vm7, v31, v7  }
0x16b: {  	v48 =	vld [tilespmem:$0x1FF00];
	v21 =	vadd.f32 v20, v32  }
0x16c: {  	v49 =	vld [tilespmem:$0x1FF10];
	v29 =	vadd.f32 v20, v33;
	v28 =	vadd.f32 v20, v34  }
0x16d: {  	v57 =	vadd.f32 v20, v35;
	v35 =	vadd.f32 v20, v40  }
0x16e: {  	v32 =	vadd.f32 v20, v43;
	v31 =	vadd.f32 v20, v44  }
0x16f: {  	v30 =	vadd.f32 v20, v45;
	v40 =	vadd.f32 v20, v46  }
0x170: {  	v34 =	vadd.f32 v20, v47;
	v43 =	vadd.f32 v20, v48  }
0x171: {  	v33 =	vadd.f32 v20, v49;
	v7 =	vadd.f32 $3.000000000e+00, v29  }
0x172: {  	v44 =	vadd.f32 $3.000000000e+00, v35;
	v45 =	vadd.f32 $3.000000000e+00, v40  }
0x173: {  	v46 =	vadd.f32 $3.000000000e+00, v34;
	v47 =	vadd.f32 $3.000000000e+00, v43  }
0x174: {  	v48 =	vadd.f32 $3.000000000e+00, v33;
	v49 =	vadd.f32 $3.000000000e+00, v32;
	v45 =	vclamp.gez.f32 v45, v54  }
0x175: {  	v25 =	vadd.f32 $3.000000000e+00, v30;
	v46 =	vclamp.gez.f32 v46, v55;
	v47 =	vclamp.gez.f32 v47, v56  }
0x176: {  	v48 =	vclamp.gez.f32 v48, v58;
	v45 =	vadd.f32 v47, v45;
	v47 =	vadd.f32 $3.000000000e+00, v31  }
0x177: {  	v44 =	vclamp.gez.f32 v44, v61;
	v49 =	vclamp.gez.f32 v49, v0;
	v46 =	vadd.f32 v48, v46  }
0x178: {  	v44 =	vadd.f32 v49, v44;
	v49 =	vadd.f32 $3.000000000e+00, v28;
	v47 =	vclamp.gez.f32 v47, v59  }
0x179: {  	v48 =	vclamp.gez.f32 v25, v3;
	v45 =	vadd.f32 v45, v47;
	v47 =	vadd.f32 $3.000000000e+00, v57  }
0x17a: {  	v7 =	vclamp.gez.f32 v7, v1;
	v46 =	vadd.f32 v46, v48;
	v48 =	vadd.f32 $3.000000000e+00, v21  }
0x17b: {  	[tilespmem:$0x1FDD0] =	vst v57;
	v7 =	vadd.f32 v44, v7;
	v57 =	vclamp.gez.f32 v49, v63;
	v47 =	vclamp.gez.f32 v47, v62  }
0x17c: {  	[tilespmem:$0x1FDF0] =	vst v21;
	v25 =	vmov v21;
	v44 =	vadd.f32 v45, v57;
	v21 =	vadd.f32 v46, v47  }
0x17d: {  	v49 =	vclamp.gez.f32 v48, v60  }
0x17e: {  	v7 =	vadd.f32 v7, v49;
	v44 =	vadd.f32 v21, v44;
	_ =	sdelay $0x1  }
0x17f: {  	v7 =	vadd.f32 v44, v7;
	_ =	sdelay $0x1  }
0x180: {  	v57 =	vimm.s32 $0x5;
	vm8 =	vge.f32 v7, $2.000000000e+01  }
0x181: {  	v21 =	vsel vm8, $0x1, v57  }
0x182: {  	v44 =	vcvt.s32.f32 v21;
	_ =	sdelay $0x1  }
0x183: {  	v45 =	vadd.f32 v44, v40  }
0x184: {  	v7 =	vadd.f32 v44, v43;
	v47 =	vadd.f32 v44, v35  }
0x185: {  	[tilespmem:$0x1FDE0] =	vst v43;
	v43 =	vmov v35;
	v35 =	vadd.f32 v44, v34;
	v57 =	vadd.f32 v44, v33  }
0x186: {  	v45 =	vclamp.gez.f32 v45, v54;
	v46 =	vclamp.gez.f32 v7, v56  }
0x187: {  	v48 =	vclamp.gez.f32 v35, v55;
	v49 =	vclamp.gez.f32 v57, v58;
	v7 =	vadd.f32 v44, v31  }
0x188: {  	v47 =	vclamp.gez.f32 v47, v61;
	v45 =	vadd.f32 v46, v45;
	v46 =	vadd.f32 v44, v32  }
0x189: {  	v48 =	vadd.f32 v49, v48;
	v49 =	vadd.f32 v44, v30;
	v35 =	vmovc v31;
	v31 =	vmov v30  }
0x18a: {  	v57 =	vclamp.gez.f32 v7, v59;
	v7 =	vadd.f32 v44, v29;
	v30 =	vmovc v29;
	v46 =	vclamp.gez.f32 v46, v0  }
0x18b: {  	v29 =	vmovc v28;
	v46 =	vadd.f32 v46, v47;
	v47 =	vclamp.gez.f32 v49, v3;
	v49 =	vadd.f32 v44, v28;
	v28 =	vld [tilespmem:$0x1FDD0];
	_ =	sdelay $0x4  }
0x18c: {  	v45 =	vadd.f32 v45, v57;
	v7 =	vclamp.gez.f32 v7, v1;
	v57 =	vadd.f32 v44, v28  }
0x18d: {  	v47 =	vadd.f32 v48, v47;
	v7 =	vadd.f32 v46, v7  }
0x18e: {  	v46 =	vclamp.gez.f32 v49, v63;
	v44 =	vadd.f32 v44, v25;
	v25 =	vclamp.gez.f32 v57, v62  }
0x18f: {  	v45 =	vadd.f32 v45, v46;
	v57 =	vadd.f32 v47, v25  }
0x190: {  	v44 =	vclamp.gez.f32 v44, v60  }
0x191: {  	v7 =	vadd.f32 v7, v44;
	v25 =	vadd.f32 v57, v45;
	_ =	sdelay $0x1  }
0x192: {  	v7 =	vadd.f32 v25, v7  }
0x193: {  	v47 =	vimm.s32 $0x7  }
0x194: {  	v49 =	vimm.s32 $0x4;
	v48 =	vsel vm8, $0x3, v47;
	vm10 =	vge.f32 v7, $2.000000000e+01  }
0x195: {  	v7 =	vsel vm8, $0x0, v49;
	v44 =	vsel vm10, v21, v48;
	v21 =	vadd.s32 $0x1, v21  }
0x196: {  	v25 =	vsel vm10, v7, v21;
	v57 =	vadd.s32 $0xFFFFFFFF, v44  }
0x197: {  	v21 =	vadd.s32 v57, v25  }
0x198: {  	v21 =	vshrl.u32 v21, $0x1  }
0x199: {  	v44 =	vcvt.s32.f32 v21;
	_ =	sdelay $0x1  }
0x19a: {  	[tilespmem:$0x1FE00] =	vst v34;
	v7 =	vadd.f32 v44, v34;
	v34 =	vld [tilespmem:$0x1FDE0];
	_ =	sdelay $0x3  }
0x19b: {  	v45 =	vadd.f32 v44, v40;
	v57 =	vadd.f32 v44, v33  }
0x19c: {  	[tilespmem:$0x1FE10] =	vst v33;
	v33 =	vadd.f32 v44, v32;
	v47 =	vadd.f32 v44, v34  }
0x19d: {  	v45 =	vclamp.gez.f32 v45, v54;
	v46 =	vclamp.gez.f32 v7, v55  }
0x19e: {  	v7 =	vadd.f32 v44, v43;
	v48 =	vclamp.gez.f32 v57, v58;
	v47 =	vclamp.gez.f32 v47, v56  }
0x19f: {  	v46 =	vadd.f32 v48, v46;
	v48 =	vclamp.gez.f32 v33, v0;
	v45 =	vadd.f32 v47, v45  }
0x1a0: {  	v33 =	vmovc v35;
	v47 =	vclamp.gez.f32 v7, v61;
	v7 =	vadd.f32 v44, v35;
	v35 =	vadd.f32 v44, v31;
	_ =	sdelay $0x2  }
0x1a1: {  	v49 =	vclamp.gez.f32 v7, v59;
	v57 =	vclamp.gez.f32 v35, v3;
	v7 =	vadd.f32 v44, v29  }
0x1a2: {  	v46 =	vadd.f32 v46, v57;
	v57 =	vadd.f32 v44, v28;
	v35 =	vmovc v29;
	v29 =	vmov v28;
	v28 =	vld [tilespmem:$0x1FDF0]  }
0x1a3: {  	v47 =	vadd.f32 v48, v47;
	v48 =	vadd.f32 v44, v30  }
0x1a4: {  	v15 =	vclamp.gez.f32 v27, v15;
	v27 =	vadd.f32 v5, v41;
	v41 =	vadd.f32 v5, v42  }
0x1a5: {  	v39 =	vadd.f32 v5, v39;
	v38 =	vadd.f32 v5, v38;
	v48 =	vclamp.gez.f32 v48, v1  }
0x1a6: {  	v9 =	vclamp.gez.f32 v26, v9;
	v45 =	vadd.f32 v45, v49;
	v47 =	vadd.f32 v47, v48  }
0x1a7: {  	v7 =	vclamp.gez.f32 v7, v63;
	v57 =	vclamp.gez.f32 v57, v62;
	v49 =	vadd.f32 v44, v28  }
0x1a8: {  	v8 =	vclamp.gez.f32 v22, v8;
	v7 =	vadd.f32 v45, v7;
	v48 =	vadd.f32 v46, v57  }
0x1a9: {  	v37 =	vadd.f32 v5, v37;
	v13 =	vclamp.gez.f32 v24, v13;
	v49 =	vclamp.gez.f32 v49, v60  }
0x1aa: {  	v10 =	vclamp.gez.f32 v27, v10;
	v7 =	vadd.f32 v48, v7;
	v57 =	vadd.f32 v47, v49  }
0x1ab: {  	v12 =	vclamp.gez.f32 v41, v12;
	v16 =	vclamp.gez.f32 v38, v16;
	v38 =	vadd.f32 v5, v36  }
0x1ac: {  	v19 =	vclamp.gez.f32 v39, v19;
	v13 =	vadd.f32 v13, v15;
	v7 =	vadd.f32 v7, v57  }
0x1ad: {  	v14 =	vclamp.gez.f32 v37, v14;
	v10 =	vadd.f32 v19, v10;
	v12 =	vadd.f32 v16, v12  }
0x1ae: {  	v11 =	vclamp.gez.f32 v38, v11;
	v39 =	vadd.s32 $0x1, v21;
	vm11 =	vge.f32 v7, $2.000000000e+01  }
0x1af: {  	v10 =	vadd.f32 v10, v14;
	v11 =	vadd.f32 v12, v11;
	v42 =	vld [tilespmem:$0x1FE00];
	v7 =	vsel vm11, v25, v39  }
0x1b0: {  	v6 =	vclamp.gez.f32 v23, v6;
	v9 =	vadd.f32 v13, v9;
	v44 =	vld [tilespmem:$0x1FE10];
	vm2 =	vlt.u32 v7, $0x7  }
0x1b1: {  	v8 =	vadd.f32 v10, v8;
	v6 =	vadd.f32 v11, v6;
	v7 =	vnsel vm2, $0x0, v7  }
0x1b2: {  	v4 =	vclamp.gez.f32 v4, v17;
	v7 =	vcvt.s32.f32 v7  }
0x1b3: {  	v4 =	vadd.f32 v9, v4;
	v6 =	vadd.f32 v6, v8  }
0x1b4: {  	v40 =	vadd.f32 v7, v40;
	v41 =	vadd.f32 v7, v34  }
0x1b5: {  	v8 =	vadd.f32 v7, v42;
	v11 =	vadd.f32 v7, v44  }
0x1b6: {  	v45 =	vadd.f32 v7, v43;
	v46 =	vadd.f32 v7, v32;
	v9 =	vclamp.gez.f32 v40, v54  }
0x1b7: {  	v47 =	vadd.f32 v7, v33;
	v10 =	vclamp.gez.f32 v41, v56;
	v8 =	vclamp.gez.f32 v8, v55  }
0x1b8: {  	v48 =	vadd.f32 v7, v31;
	v11 =	vclamp.gez.f32 v11, v58;
	v0 =	vclamp.gez.f32 v46, v0  }
0x1b9: {  	v49 =	vclamp.gez.f32 v47, v59;
	v54 =	vadd.f32 v7, v30;
	v55 =	vadd.f32 v7, v35  }
0x1ba: {  	v9 =	vadd.f32 v10, v9;
	v10 =	vclamp.gez.f32 v45, v61;
	v8 =	vadd.f32 v11, v8  }
0x1bb: {  	v3 =	vclamp.gez.f32 v48, v3;
	v56 =	vadd.f32 v7, v29;
	v0 =	vadd.f32 v0, v10  }
0x1bc: {  	v1 =	vclamp.gez.f32 v54, v1;
	v9 =	vadd.f32 v9, v49;
	v3 =	vadd.f32 v8, v3  }
0x1bd: {  	v57 =	vclamp.gez.f32 v56, v62;
	v0 =	vadd.f32 v0, v1;
	v1 =	vclamp.gez.f32 v55, v63  }
0x1be: {  	v1 =	vadd.f32 v9, v1;
	v3 =	vadd.f32 v3, v57;
	_ =	sdelay $0x1  }
0x1bf: {  	v58 =	vadd.f32 v7, v28;
	v1 =	vadd.f32 v3, v1;
	v3 =	vld [tilespmem:$0x1FE20];
	_ =	sdelay $0x1  }
0x1c0: {  	v4 =	vadd.f32 v6, v4;
	v61 =	vclamp.gez.f32 v58, v60  }
0x1c1: {  	v59 =	vadd.f32 v5, v18;
	v0 =	vadd.f32 v0, v61  }
0x1c2: {  	vm12 =	vmor vm9, vm12  }
0x1c3: {  	v0 =	vadd.f32 v1, v0;
	v1 =	vnsel vm12, $0x7F800000, v59;
	v3 =	vsel vm12, v4, v3  }
0x1c4: {  	vm1 =	vmmov vm1;
	vm2 =	veq.f32 v1, v53;
	vm13 =	vgt.f32 v3, v52  }
0x1c5: {  	v62 =	vadd.f32 v7, v20;
	vm4 =	vlt.f32 v1, v53;
	vm2 =	vmand vm2, vm13  }
0x1c6: {  	vm0 =	vmor vm1, vm15;
	v63 =	vld [tilespmem:$0x1FFE0];
	v1 =	vsel vm4, v1, v53;
	vm2 =	vmor vm4, vm2  }
0x1c7: {  	v0 =	vsel vm0, v0, v50;
	v4 =	vnsel vm0, $0x7F800000, v62;
	v3 =	vsel vm2, v3, v52  }
0x1c8: {  	vm0 =	veq.f32 v4, v1;
	vm15 =	vlt.f32 v4, v1;
	vm14 =	vgt.f32 v0, v3  }
0x1c9: {  	v1 =	vsel vm15, v4, v1;
	vm0 =	vmand vm0, vm14  }
0x1ca: {  	s0 =	sadd.s32 $0x10, s31;
	[tilespmem:$0x16EE0] =	vst v1;
	v1 =	vlaneseq.u32;
	vm0 =	vmor vm15, vm0  }
0x1cb: {  	v4 =	vsel vm2, v63, v51;
	v1 =	vor.u32 s0, v1;
	v0 =	vsel vm0, v0, v3  }
0x1cc: {  	v1 =	vsel vm0, v1, v4;
	[tilespmem:$0x16EF0] =	vst v0  }
0x1cd: {  	s25 =	rddreg [dreg:$0x7];
	s1 =	simm.s32 $0x16EE0;
	[tilespmem:$0x16F00] =	vst v1  }
0x1ce: {  	[hbm4b:s25+s3] =	stream.linear.scatter [tilespmem:s1], [sflag:$0x2], $0x10, $0x38;
	[tilespmem:$0x16F10] =	vst v63  }
0x1cf: {  	_ =	swait.ge [sflag:s11], $0x10  }
0x1d0: {  	[sflag:s11] =	ssyncset.done $0x0  }
0x1d1: {  	s28 =	simm.s32 $0x16EF0;
	s26 =	rddreg [dreg:$0x8];
	[sflag:s11] =	ssyncadd.s32 $0xFFFFFFF0  }
0x1d2: {  	[hbm4b:s26+s3] =	stream.linear.scatter [tilespmem:s28], [sflag:$0x2], $0x10, $0x38;
	[tilespmem:$0x16F10] =	vst v63  }
0x1d3: {  	_ =	swait.ge [sflag:s11], $0x10  }
0x1d4: {  	[sflag:s11] =	ssyncset.done $0x0  }
0x1d5: {  	s30 =	simm.s32 $0x16F00;
	s29 =	rddreg [dreg:$0x9];
	[sflag:s11] =	ssyncadd.s32 $0xFFFFFFF0  }
0x1d6: {  	[hbm4b:s29+s3] =	stream.linear.scatter [tilespmem:s30], [sflag:$0x2], $0x10, $0x38;
	[tilespmem:$0x16F10] =	vst v63  }
0x1d7: {  	_ =	swait.ge [sflag:s11], $0x10  }
0x1d8: {  	s17 =	sadd.s32 $0x1, s17;
	s31 =	rddreg [dreg:$0xa]  }
0x1d9: {  	p0 =	sne.s32 s17, s31  }
.Ltmp1:
0x1da: {  	_ = 	snop;
	(pc) =	sbr.rel @p0 .LBB2_1-.Ltmp1, $3  }
0x1db: {  	_ =	sdelay $0x1  }
0x1dc: {  	[sflag:s11] =	ssyncset.done $0x0  }
0x1dd: {  	[sflag:s11] =	ssyncadd.s32 $0xFFFFFFF0  }
0x1de: {  	_ =	sfence.sel $0x180000  }
0x1df: {  	[bflag:$0x0] =	sbarrier.arrive $0xFFFF  }
0x1e0: {  	_ =	strace $0x90000047  }
0x1e1: {  	s0 =	stileid.u32;
	[bflag:$0x2] =	sbarrier.arrive $0xFFFF  }
0x1e2: {  	p0 =	sne.s32 s0, $0x0;
	s0 =	rddreg [dreg:$0x5]  }
0x1e3: {  	s0 =	sadd.s32 @!p0 $0x100000, s0  }
0x1e4: {  	[sflag:s0] =	ssyncadd.tile.s32 @!p0 $0x1;
	_ =	shalt  }
.Lfunc_end2:
_tile_overlayer_lowered:
.L_overlay_start_2:
0x1e5: {  	(tag) =	ssettag $0x2  }
0x1e6: {  	s0 =	rddreg [dreg:$0x0];
	s2 =	stileid.u32  }
0x1e7: {  	s1 =	rddreg [dreg:$0x1];
	p0 =	sne.s32 s2, $0x0  }
0x1e8: {  	s3 =	rddreg [dreg:$0x2];
	[bflag:$0x3] =	sbarrier.arrive $0xFFFF;
	s2 =	simm.s32 @!p0 $0x1C02  }
0x1e9: {  	[timem:s3], [sflag:s2] =	dma.local @!p0 [hbm:s0], s1  }
0x1ea: {  	s0 =	simm.s32 @!p0 $0x2  }
0x1eb: {  	_ =	swait.ge @!p0 [sflag:s0], s1  }
0x1ec: {  	s1 =	ssub.s32 @!p0 $0x0, s1;
	[sflag:s0] =	ssyncset.done @!p0 $0x0  }
0x1ed: {  	[sflag:s0] =	ssyncadd.s32 @!p0 s1  }
0x1ee: {  	[bflag:$0x3] =	sbarrier.arrive $0xFFFF  }
0x1ef: {  	_ =	shalt  }

</sc_bundles>
